<compile_context>
chip_gen: v7x
topology: tpu7x:2x2x1
jax: 0.10.2.dev20260603
libtpu: 0.0.44.dev20260713+nightly
codegen_flags: <defaults>
</compile_context>

<pallas_src>
import functools

import jax
import jax.numpy as jnp
from jax import lax
from jax.experimental import pallas as pl
from jax.experimental.pallas import tpu as pltpu
from jax.experimental.pallas import tpu_sc as plsc

_NC = 2
_NS = 16
_L = 16
_K = 128


def _sc_mesh():
    return plsc.VectorSubcoreMesh(core_axis_name="c", subcore_axis_name="s",
                                  num_cores=_NC, num_subcores=_NS)


def _deg_counts(dstb, n_pad):
    rows_per_sub = dstb.shape[0] // (_NC * _NS)
    nps = n_pad // _NS
    zrows = 100
    mesh = _sc_mesh()

    @functools.partial(
        pl.kernel,
        out_type=jax.ShapeDtypeStruct((_NC * n_pad, _L), jnp.float32),
        mesh=mesh,
        scratch_types=[
            pltpu.VMEM((rows_per_sub, _K), jnp.int32),
            pltpu.VMEM((_K, _L), jnp.float32),
            pltpu.VMEM((zrows, _L), jnp.float32),
            pltpu.VMEM_SHARED((n_pad, _L), jnp.float32),
        ],
    )
    def deg_kernel(dstb_hbm, deg_hbm, idx_v, ones_v, zero_v, acc_sh):
        c = lax.axis_index("c")
        s = lax.axis_index("s")

        @pl.loop(0, _K)
        def _(i):
            ones_v.at[i][...] = jnp.full((_L,), 1.0, jnp.float32)

        @pl.loop(0, zrows)
        def _(i):
            zero_v.at[i][...] = jnp.zeros((_L,), jnp.float32)

        @pl.loop(0, nps // zrows)
        def _(i):
            pltpu.sync_copy(zero_v, acc_sh.at[pl.ds(s * nps + i * zrows, zrows)])

        row0 = (c * _NS + s) * rows_per_sub
        pltpu.sync_copy(dstb_hbm.at[pl.ds(row0, rows_per_sub)], idx_v)
        plsc.subcore_barrier()

        @pl.loop(0, rows_per_sub)
        def _(j):
            pltpu.sync_copy(ones_v, acc_sh.at[idx_v.at[j]], add=True)

        plsc.subcore_barrier()
        pltpu.sync_copy(acc_sh.at[pl.ds(s * nps, nps)],
                        deg_hbm.at[pl.ds(c * n_pad + s * nps, nps)])

    return deg_kernel(dstb)


def _edge_aggregate(u_all, srcb, dstb, n_pad, dh):
    rows_per_sub = dstb.shape[0] // _NS
    half = rows_per_sub // 2
    nps = n_pad // _NS
    mesh = _sc_mesh()

    @functools.partial(
        pl.kernel,
        out_type=jax.ShapeDtypeStruct((_NC * n_pad, dh), jnp.float32),
        mesh=mesh,
        scratch_types=[
            pltpu.VMEM((half, _K), jnp.int32),
            pltpu.VMEM((half, _K), jnp.int32),
            pltpu.VMEM((_K, dh), jnp.float32),
            pltpu.VMEM((_K, dh), jnp.float32),
            pltpu.SemaphoreType.DMA,
            pltpu.SemaphoreType.DMA,
            pltpu.SemaphoreType.DMA,
            pltpu.SemaphoreType.DMA,
            pltpu.VMEM_SHARED((n_pad, dh), jnp.float32),
        ],
    )
    def edge_kernel(u_hbm, srcb_hbm, dstb_hbm, agg_hbm,
                    src_v, dst_v, buf0, buf1,
                    gsem0a, gsem0b, gsem1a, gsem1b, acc_sh):
        c = lax.axis_index("c")
        s = lax.axis_index("s")
        pltpu.sync_copy(u_hbm.at[pl.ds(c * n_pad + s * nps, nps)],
                        acc_sh.at[pl.ds(s * nps, nps)])
        plsc.subcore_barrier()
        src_base = (c * _NS + s) * rows_per_sub
        dst_base = s * rows_per_sub

        hk = _K // 2

        def gather(r, h, buf, sem):
            return pltpu.make_async_copy(
                u_hbm.at[src_v.at[r, pl.ds(h * hk, hk)]],
                buf.at[pl.ds(h * hk, hk)], sem)

        for p in range(2):
            pltpu.sync_copy(
                srcb_hbm.at[pl.ds(src_base + p * half, half)], src_v)
            pltpu.sync_copy(
                dstb_hbm.at[pl.ds(dst_base + p * half, half)], dst_v)
            gather(0, 0, buf0, gsem0a).start()
            gather(0, 1, buf0, gsem0b).start()

            @pl.loop(0, half, step=2)
            def _(t):
                gather(t + 1, 0, buf1, gsem1a).start()
                gather(t + 1, 1, buf1, gsem1b).start()
                gather(t, 0, buf0, gsem0a).wait()
                gather(t, 1, buf0, gsem0b).wait()
                pltpu.sync_copy(buf0, acc_sh.at[dst_v.at[t]], add=True)

                @pl.when(t + 2 < half)
                def _():
                    gather(t + 2, 0, buf0, gsem0a).start()
                    gather(t + 2, 1, buf0, gsem0b).start()

                gather(t + 1, 0, buf1, gsem1a).wait()
                gather(t + 1, 1, buf1, gsem1b).wait()
                pltpu.sync_copy(buf1, acc_sh.at[dst_v.at[t + 1]], add=True)

        plsc.subcore_barrier()
        pltpu.sync_copy(acc_sh.at[pl.ds(s * nps, nps)],
                        agg_hbm.at[pl.ds(c * n_pad + s * nps, nps)])

    return edge_kernel(u_all, srcb, dstb)


def _matmul(x, W):
    n, din = x.shape
    dout = W.shape[1]
    RM = 2000

    def body(x_ref, w_ref, h_ref):
        h_ref[...] = jnp.dot(x_ref[...], w_ref[...],
                             preferred_element_type=jnp.float32)

    return pl.pallas_call(
        body,
        grid=(n // RM,),
        in_specs=[pl.BlockSpec((RM, din), lambda i: (i, 0)),
                  pl.BlockSpec((din, dout), lambda i: (0, 0))],
        out_specs=pl.BlockSpec((RM, dout), lambda i: (i, 0)),
        out_shape=jax.ShapeDtypeStruct((n, dout), jnp.float32),
    )(x, W)


def _scale(h, degp, n, n_pad, dout):
    dh = dout // 2
    RM = 2048
    g = -(-n // RM)
    gp = n_pad // RM

    def body(h_ref, d0_ref, d1_ref, u_ref):
        deg = d0_ref[:, 0:1] + d1_ref[:, 0:1] + 1.0
        dis = lax.rsqrt(deg)
        u_ref[...] = h_ref[...] * dis

    return pl.pallas_call(
        body,
        grid=(g, 2),
        in_specs=[pl.BlockSpec((RM, dh), lambda i, j: (i, j)),
                  pl.BlockSpec((RM, _L), lambda i, j: (i, 0)),
                  pl.BlockSpec((RM, _L), lambda i, j: (gp + i, 0))],
        out_specs=pl.BlockSpec((RM, dh), lambda i, j: (j * gp + i, 0)),
        out_shape=jax.ShapeDtypeStruct((2 * n_pad, dh), jnp.float32),
    )(h, degp, degp)


def _finalize(agg, degp, b2, n, n_pad, dout):
    dh = dout // 2
    RM = 2048
    g = -(-n // RM)
    gp = n_pad // RM

    def body(a0_ref, a1_ref, d0_ref, d1_ref, b_ref, o_ref):
        deg = d0_ref[:, 0:1] + d1_ref[:, 0:1] + 1.0
        dis = lax.rsqrt(deg)
        o_ref[:, 0:dh] = a0_ref[...] * dis + b_ref[:, 0:dh]
        o_ref[:, dh:dout] = a1_ref[...] * dis + b_ref[:, dh:dout]

    return pl.pallas_call(
        body,
        grid=(g,),
        in_specs=[pl.BlockSpec((RM, dh), lambda i: (i, 0)),
                  pl.BlockSpec((RM, dh), lambda i: (gp + i, 0)),
                  pl.BlockSpec((RM, _L), lambda i: (i, 0)),
                  pl.BlockSpec((RM, _L), lambda i: (gp + i, 0)),
                  pl.BlockSpec((1, dout), lambda i: (0, 0))],
        out_specs=pl.BlockSpec((RM, dout), lambda i: (i, 0)),
        out_shape=jax.ShapeDtypeStruct((n, dout), jnp.float32),
    )(agg, agg, degp, degp, b2)


def kernel(x, edge_index, W, b):
    n, _ = x.shape
    dout = W.shape[1]
    e = edge_index.shape[1]
    dh = dout // 2
    src = edge_index[0]
    dst = edge_index[1]

    n_pad = -(-n // 2048) * 2048
    chunk = _NS * 8 * _K
    e_pad = -(-e // chunk) * chunk
    pad = e_pad - e
    src_p = jnp.concatenate([src, jnp.zeros((pad,), jnp.int32)])
    trash = n + jnp.arange(pad, dtype=jnp.int32) % (n_pad - n)
    dst_p = jnp.concatenate([dst, trash])

    dstb = dst_p.reshape(e_pad // _K, _K)
    srcb = jnp.concatenate([src_p, src_p + n_pad]).reshape(
        2 * (e_pad // _K), _K)

    degp = _deg_counts(dstb, n_pad)
    h = _matmul(x, W)
    u_all = _scale(h, degp, n, n_pad, dout)
    agg = _edge_aggregate(u_all, srcb, dstb, n_pad, dh)
    return _finalize(agg, degp, b.reshape(1, dout), n, n_pad, dout)

# --- scband reference (transcript-rebuilt; emitter-appended) ---
"""Pipeline reference for scband-custom-gcnconv-58437325029518 (READ-ONLY COPY).

The authoritative reference and input builder live on the scoring server;
editing this copy changes nothing except your own understanding.
"""

import jax, jax.numpy as jnp
import numpy as np

N = 10000
E = 160000
D_IN = 256
D_OUT = 256


def setup_inputs(seed: int = 0) -> dict:
    key = jax.random.key(seed)
    k1, k2, k3 = jax.random.split(key, 3)
    x = jax.random.normal(k1, (N, D_IN), dtype=jnp.float32)
    edge_index = jax.random.randint(k2, (2, E), 0, N, dtype=jnp.int32)
    # GCNConv learned params: weight (glorot) and bias (zeros)
    limit = float(np.sqrt(6.0 / (D_IN + D_OUT)))
    W = jax.random.uniform(k3, (D_IN, D_OUT), dtype=jnp.float32, minval=-limit, maxval=limit)
    b = jnp.zeros((D_OUT,), dtype=jnp.float32)
    return {"x": x, "edge_index": edge_index, "W": W, "b": b}


def reference(x, edge_index, W, b):
    # Faithful GCNConv (PyG defaults: add_self_loops=True, normalize=True, bias=True)
    n = x.shape[0]
    src = edge_index[0]
    dst = edge_index[1]
    # add self loops
    loop = jnp.arange(n, dtype=src.dtype)
    src = jnp.concatenate([src, loop])
    dst = jnp.concatenate([dst, loop])
    # linear transform
    h = x @ W
    # symmetric normalization: deg computed on destination (col) with unit edge weights
    deg = jnp.zeros((n,), dtype=h.dtype).at[dst].add(1.0)
    deg_inv_sqrt = jnp.where(deg > 0, 1.0 / jnp.sqrt(deg), 0.0)
    norm = deg_inv_sqrt[src] * deg_inv_sqrt[dst]
    # message = norm * h[src]; aggregate sum at dst
    msgs = h[src] * norm[:, None]
    out = jnp.zeros((n, h.shape[1]), dtype=h.dtype).at[dst].add(msgs)
    return out + b

if __name__ == "__main__":
    import jax
    _d = setup_inputs()
    print(jax.jit(kernel)(*tuple(_d.values())))

</pallas_src>

<mosaic_0001>
#map = affine_map<(d0, d1) -> (0, 0)>
module attributes {stable_mosaic.version = 14 : i64} {
  func.func @deg_kernel(%arg0: i32, %arg1: i32, %arg2: memref<1280x128xi32, #tpu.memory_space<hbm>>, %arg3: memref<20480x16xf32, #tpu.memory_space<hbm>>, %arg4: memref<40x128xi32, #tpu.memory_space<vmem>>, %arg5: memref<128x16xf32, #tpu.memory_space<vmem>>, %arg6: memref<100x16xf32, #tpu.memory_space<vmem>>, %arg7: memref<10240x16xf32, #tpu.memory_space<vmem_shared>>) attributes {dimension_semantics = [#tpu.dimension_semantics<core_parallel>, #tpu.dimension_semantics<subcore_parallel>], iteration_bounds = array<i64: 2, 16>, scalar_prefetch = 0 : i64, scratch_operands = 4 : i64, tpu.core_type = #tpu.core_type<sc_vector_subcore>, window_params = [{transform_indices = #map}, {transform_indices = #map}]} {
    %scan3A = arith.constant 0 : i32
    %scan3A_0 = arith.constant 128 : i32
    %scan3A_1 = arith.addi %scan3A, %scan3A_0 : i32
    %scan3A_2 = arith.constant 1 : i32
    scf.for %scan3A_30 = %scan3A to %scan3A_1 step %scan3A_2  : i32 {
      %mul3A_31 = arith.constant 1 : i32
      %mul3A_32 = arith.muli %scan3A_30, %mul3A_31 : i32
      %add3A_33 = arith.constant 0 : i32
      %add3A_34 = arith.addi %add3A_33, %mul3A_32 : i32
      %broadcast_in_dim3A = arith.constant 1.000000e+00 : f32
      %broadcast_in_dim3A_35 = vector.broadcast %broadcast_in_dim3A : f32 to vector<16xf32>
      %swap3A = arith.index_cast %add3A_34 : i32 to index
      %swap3A_36 = arith.constant 0 : index
      %swap3A_37 = tpu.vector_load %arg5[%swap3A, %swap3A_36] {strides = array<i32>} : memref<128x16xf32, #tpu.memory_space<vmem>>, vector<1x16xf32>,
      %swap3A_38 = vector.shape_cast %swap3A_37 : vector<1x16xf32> to vector<16xf32>
      %swap3A_39 = vector.shape_cast %broadcast_in_dim3A_35 : vector<16xf32> to vector<1x16xf32>
      tpu.vector_store %arg5[%swap3A, %swap3A_36], %swap3A_39 {strides = array<i32>} : memref<128x16xf32, #tpu.memory_space<vmem>>, vector<1x16xf32>,
    }
    %scan3A_3 = arith.constant 128 : i32
    %scan3A_4 = arith.constant 0 : i32
    %scan3A_5 = arith.constant 100 : i32
    %scan3A_6 = arith.addi %scan3A_4, %scan3A_5 : i32
    %scan3A_7 = arith.constant 1 : i32
    scf.for %scan3A_30 = %scan3A_4 to %scan3A_6 step %scan3A_7  : i32 {
      %mul3A_31 = arith.constant 1 : i32
      %mul3A_32 = arith.muli %scan3A_30, %mul3A_31 : i32
      %add3A_33 = arith.constant 0 : i32
      %add3A_34 = arith.addi %add3A_33, %mul3A_32 : i32
      %broadcast_in_dim3A = arith.constant 0.000000e+00 : f32
      %broadcast_in_dim3A_35 = vector.broadcast %broadcast_in_dim3A : f32 to vector<16xf32>
      %swap3A = arith.index_cast %add3A_34 : i32 to index
      %swap3A_36 = arith.constant 0 : index
      %swap3A_37 = tpu.vector_load %arg6[%swap3A, %swap3A_36] {strides = array<i32>} : memref<100x16xf32, #tpu.memory_space<vmem>>, vector<1x16xf32>,
      %swap3A_38 = vector.shape_cast %swap3A_37 : vector<1x16xf32> to vector<16xf32>
      %swap3A_39 = vector.shape_cast %broadcast_in_dim3A_35 : vector<16xf32> to vector<1x16xf32>
      tpu.vector_store %arg6[%swap3A, %swap3A_36], %swap3A_39 {strides = array<i32>} : memref<100x16xf32, #tpu.memory_space<vmem>>, vector<1x16xf32>,
    }
    %scan3A_8 = arith.constant 100 : i32
    %scan3A_9 = arith.constant 0 : i32
    %scan3A_10 = arith.constant 6 : i32
    %scan3A_11 = arith.addi %scan3A_9, %scan3A_10 : i32
    %scan3A_12 = arith.constant 1 : i32
    scf.for %scan3A_30 = %scan3A_9 to %scan3A_11 step %scan3A_12  : i32 {
      %mul3A_31 = arith.constant 1 : i32
      %mul3A_32 = arith.muli %scan3A_30, %mul3A_31 : i32
      %add3A_33 = arith.constant 0 : i32
      %add3A_34 = arith.addi %add3A_33, %mul3A_32 : i32
      %mul3A_35 = arith.constant 640 : i32
      %mul3A_36 = arith.muli %arg1, %mul3A_35 : i32
      %mul3A_37 = arith.constant 100 : i32
      %mul3A_38 = arith.muli %add3A_34, %mul3A_37 : i32
      %add3A_39 = arith.addi %mul3A_36, %mul3A_38 : i32
      "tpu.region"() ({
        %run_scoped3A = tpu.sem_alloc : memref<!tpu.dma_semaphore, #tpu.memory_space<semaphore_mem>>
        %dma_start3A = arith.constant 0 : i32
        %dma_start3A_40 = tpu.memref_slice %arg7[%add3A_39, %dma_start3A] : memref<10240x16xf32, #tpu.memory_space<vmem_shared>> -> memref<100x16xf32, #tpu.memory_space<vmem_shared>>
        %dma_start3A_41 = arith.constant 0 : i32
        %dma_start3A_42 = tpu.memref_slice %arg7[%add3A_39, %dma_start3A_41] : memref<10240x16xf32, #tpu.memory_space<vmem_shared>> -> memref<100x16xf32, #tpu.memory_space<vmem_shared>>
        tpu.enqueue_dma source(%arg6 : memref<100x16xf32, #tpu.memory_space<vmem>>) target(%dma_start3A_42 : memref<100x16xf32, #tpu.memory_space<vmem_shared>>) target_semaphore(%run_scoped3A : memref<!tpu.dma_semaphore, #tpu.memory_space<semaphore_mem>>)
        %dma_wait3A = arith.constant 0 : i32
        %dma_wait3A_43 = tpu.memref_slice %arg7[%add3A_39, %dma_wait3A] : memref<10240x16xf32, #tpu.memory_space<vmem_shared>> -> memref<100x16xf32, #tpu.memory_space<vmem_shared>>
        %dma_wait3A_44 = arith.constant 0 : i32
        %dma_wait3A_45 = tpu.memref_slice %arg7[%add3A_39, %dma_wait3A_44] : memref<10240x16xf32, #tpu.memory_space<vmem_shared>> -> memref<100x16xf32, #tpu.memory_space<vmem_shared>>
        tpu.wait_dma2 semaphore(%run_scoped3A : memref<!tpu.dma_semaphore, #tpu.memory_space<semaphore_mem>>) src(%arg6 : memref<100x16xf32, #tpu.memory_space<vmem>>) dst(%dma_wait3A_45 : memref<100x16xf32, #tpu.memory_space<vmem_shared>>)
        tpu.yield
      }) : () -> ()
    }
    %scan3A_13 = arith.constant 6 : i32
    %mul3A = arith.constant 16 : i32
    %mul3A_14 = arith.muli %arg0, %mul3A : i32
    %add3A = arith.addi %mul3A_14, %arg1 : i32
    %mul3A_15 = arith.constant 40 : i32
    %mul3A_16 = arith.muli %add3A, %mul3A_15 : i32
    "tpu.region"() ({
      %run_scoped3A = tpu.sem_alloc : memref<!tpu.dma_semaphore, #tpu.memory_space<semaphore_mem>>
      %dma_start3A = arith.constant 0 : i32
      %dma_start3A_30 = tpu.memref_slice %arg2[%mul3A_16, %dma_start3A] : memref<1280x128xi32, #tpu.memory_space<hbm>> -> memref<40x128xi32, #tpu.memory_space<hbm>>
      %dma_start3A_31 = arith.constant 0 : i32
      %dma_start3A_32 = tpu.memref_slice %arg2[%mul3A_16, %dma_start3A_31] : memref<1280x128xi32, #tpu.memory_space<hbm>> -> memref<40x128xi32, #tpu.memory_space<hbm>>
      tpu.enqueue_dma source(%dma_start3A_32 : memref<40x128xi32, #tpu.memory_space<hbm>>) target(%arg4 : memref<40x128xi32, #tpu.memory_space<vmem>>) target_semaphore(%run_scoped3A : memref<!tpu.dma_semaphore, #tpu.memory_space<semaphore_mem>>)
      %dma_wait3A = arith.constant 0 : i32
      %dma_wait3A_33 = tpu.memref_slice %arg2[%mul3A_16, %dma_wait3A] : memref<1280x128xi32, #tpu.memory_space<hbm>> -> memref<40x128xi32, #tpu.memory_space<hbm>>
      %dma_wait3A_34 = arith.constant 0 : i32
      %dma_wait3A_35 = tpu.memref_slice %arg2[%mul3A_16, %dma_wait3A_34] : memref<1280x128xi32, #tpu.memory_space<hbm>> -> memref<40x128xi32, #tpu.memory_space<hbm>>
      tpu.wait_dma2 semaphore(%run_scoped3A : memref<!tpu.dma_semaphore, #tpu.memory_space<semaphore_mem>>) src(%dma_wait3A_35 : memref<40x128xi32, #tpu.memory_space<hbm>>) dst(%arg4 : memref<40x128xi32, #tpu.memory_space<vmem>>)
      tpu.yield
    }) : () -> ()
    %barrier3A = arith.constant 0 : index
    tpu.barrier barrier_id(%barrier3A)
    %scan3A_17 = arith.constant 0 : i32
    %scan3A_18 = arith.constant 40 : i32
    %scan3A_19 = arith.addi %scan3A_17, %scan3A_18 : i32
    %scan3A_20 = arith.constant 1 : i32
    scf.for %scan3A_30 = %scan3A_17 to %scan3A_19 step %scan3A_20  : i32 {
      %mul3A_31 = arith.constant 1 : i32
      %mul3A_32 = arith.muli %scan3A_30, %mul3A_31 : i32
      %add3A_33 = arith.constant 0 : i32
      %add3A_34 = arith.addi %add3A_33, %mul3A_32 : i32
      "tpu.region"() ({
        %run_scoped3A = tpu.sem_alloc : memref<!tpu.dma_semaphore, #tpu.memory_space<semaphore_mem>>
        %dma_start3A = arith.constant 0 : i32
        %dma_start3A_35 = tpu.memref_slice %arg4[%add3A_34, %dma_start3A] : memref<40x128xi32, #tpu.memory_space<vmem>> -> memref<1x128xi32, #tpu.memory_space<vmem>>
        %dma_start3A_36 = tpu.memref_squeeze %dma_start3A_35 : memref<1x128xi32, #tpu.memory_space<vmem>> -> memref<128xi32, #tpu.memory_space<vmem>>
        %dma_start3A_37 = arith.constant 0 : i32
        %dma_start3A_38 = arith.constant 0 : i32
        %dma_start3A_39 = tpu.memref_slice %arg7[%dma_start3A_37, %dma_start3A_38] : memref<10240x16xf32, #tpu.memory_space<vmem_shared>> -> memref<10240x16xf32, #tpu.memory_space<vmem_shared>>
        tpu.enqueue_indirect_dma source(%arg5 : memref<128x16xf32, #tpu.memory_space<vmem>>) target(%dma_start3A_39 : memref<10240x16xf32, #tpu.memory_space<vmem_shared>>) offsets(%dma_start3A_36 : memref<128xi32, #tpu.memory_space<vmem>>) semaphore(%run_scoped3A : memref<!tpu.dma_semaphore, #tpu.memory_space<semaphore_mem>>) {add = true}
        %dma_wait3A = arith.constant 0 : i32
        %dma_wait3A_40 = tpu.memref_slice %arg4[%add3A_34, %dma_wait3A] : memref<40x128xi32, #tpu.memory_space<vmem>> -> memref<1x128xi32, #tpu.memory_space<vmem>>
        %dma_wait3A_41 = tpu.memref_squeeze %dma_wait3A_40 : memref<1x128xi32, #tpu.memory_space<vmem>> -> memref<128xi32, #tpu.memory_space<vmem>>
        %dma_wait3A_42 = arith.constant 0 : i32
        %dma_wait3A_43 = arith.constant 0 : i32
        %dma_wait3A_44 = tpu.memref_slice %arg7[%dma_wait3A_42, %dma_wait3A_43] : memref<10240x16xf32, #tpu.memory_space<vmem_shared>> -> memref<10240x16xf32, #tpu.memory_space<vmem_shared>>
        tpu.wait_indirect_dma semaphore(%run_scoped3A : memref<!tpu.dma_semaphore, #tpu.memory_space<semaphore_mem>>) src(%arg5 : memref<128x16xf32, #tpu.memory_space<vmem>>) dst(%dma_wait3A_44 : memref<10240x16xf32, #tpu.memory_space<vmem_shared>>)
        tpu.yield
      }) : () -> ()
    }
    %scan3A_21 = arith.constant 40 : i32
    %barrier3A_22 = arith.constant 0 : index
    tpu.barrier barrier_id(%barrier3A_22)
    %mul3A_23 = arith.constant 640 : i32
    %mul3A_24 = arith.muli %arg1, %mul3A_23 : i32
    %mul3A_25 = arith.constant 10240 : i32
    %mul3A_26 = arith.muli %arg0, %mul3A_25 : i32
    %mul3A_27 = arith.constant 640 : i32
    %mul3A_28 = arith.muli %arg1, %mul3A_27 : i32
    %add3A_29 = arith.addi %mul3A_26, %mul3A_28 : i32
    "tpu.region"() ({
      %run_scoped3A = tpu.sem_alloc : memref<!tpu.dma_semaphore, #tpu.memory_space<semaphore_mem>>
      %dma_start3A = arith.constant 0 : i32
      %dma_start3A_30 = tpu.memref_slice %arg3[%add3A_29, %dma_start3A] : memref<20480x16xf32, #tpu.memory_space<hbm>> -> memref<640x16xf32, #tpu.memory_space<hbm>>
      %dma_start3A_31 = arith.constant 0 : i32
      %dma_start3A_32 = tpu.memref_slice %arg7[%mul3A_24, %dma_start3A_31] : memref<10240x16xf32, #tpu.memory_space<vmem_shared>> -> memref<640x16xf32, #tpu.memory_space<vmem_shared>>
      tpu.enqueue_dma source(%dma_start3A_32 : memref<640x16xf32, #tpu.memory_space<vmem_shared>>) target(%dma_start3A_30 : memref<640x16xf32, #tpu.memory_space<hbm>>) target_semaphore(%run_scoped3A : memref<!tpu.dma_semaphore, #tpu.memory_space<semaphore_mem>>)
      %dma_wait3A = arith.constant 0 : i32
      %dma_wait3A_33 = tpu.memref_slice %arg3[%add3A_29, %dma_wait3A] : memref<20480x16xf32, #tpu.memory_space<hbm>> -> memref<640x16xf32, #tpu.memory_space<hbm>>
      %dma_wait3A_34 = arith.constant 0 : i32
      %dma_wait3A_35 = tpu.memref_slice %arg7[%mul3A_24, %dma_wait3A_34] : memref<10240x16xf32, #tpu.memory_space<vmem_shared>> -> memref<640x16xf32, #tpu.memory_space<vmem_shared>>
      tpu.wait_dma2 semaphore(%run_scoped3A : memref<!tpu.dma_semaphore, #tpu.memory_space<semaphore_mem>>) src(%dma_wait3A_35 : memref<640x16xf32, #tpu.memory_space<vmem_shared>>) dst(%dma_wait3A_33 : memref<640x16xf32, #tpu.memory_space<hbm>>)
      tpu.yield
    }) : () -> ()
    return
  }
}

#map = affine_map<(d0, d1) -> (0, 0)>
module attributes {stable_mosaic.version = 14 : i64} {
  func.func @edge_kernel(%arg0: i32, %arg1: i32, %arg2: memref<20480x128xf32, #tpu.memory_space<hbm>>, %arg3: memref<2560x128xi32, #tpu.memory_space<hbm>>, %arg4: memref<1280x128xi32, #tpu.memory_space<hbm>>, %arg5: memref<20480x128xf32, #tpu.memory_space<hbm>>, %arg6: memref<40x128xi32, #tpu.memory_space<vmem>>, %arg7: memref<40x128xi32, #tpu.memory_space<vmem>>, %arg8: memref<128x128xf32, #tpu.memory_space<vmem>>, %arg9: memref<128x128xf32, #tpu.memory_space<vmem>>, %arg10: memref<!tpu.dma_semaphore, #tpu.memory_space<semaphore_mem>>, %arg11: memref<!tpu.dma_semaphore, #tpu.memory_space<semaphore_mem>>, %arg12: memref<!tpu.dma_semaphore, #tpu.memory_space<semaphore_mem>>, %arg13: memref<!tpu.dma_semaphore, #tpu.memory_space<semaphore_mem>>, %arg14: memref<10240x128xf32, #tpu.memory_space<vmem_shared>>) attributes {dimension_semantics = [#tpu.dimension_semantics<core_parallel>, #tpu.dimension_semantics<subcore_parallel>], iteration_bounds = array<i64: 2, 16>, scalar_prefetch = 0 : i64, scratch_operands = 9 : i64, tpu.core_type = #tpu.core_type<sc_vector_subcore>, window_params = [{transform_indices = #map}, {transform_indices = #map}, {transform_indices = #map}, {transform_indices = #map}]} {
    %mul3A = arith.constant 10240 : i32
    %mul3A_0 = arith.muli %arg0, %mul3A : i32
    %mul3A_1 = arith.constant 640 : i32
    %mul3A_2 = arith.muli %arg1, %mul3A_1 : i32
    %add3A = arith.addi %mul3A_0, %mul3A_2 : i32
    %mul3A_3 = arith.constant 640 : i32
    %mul3A_4 = arith.muli %arg1, %mul3A_3 : i32
    "tpu.region"() ({
      %run_scoped3A = tpu.sem_alloc : memref<!tpu.dma_semaphore, #tpu.memory_space<semaphore_mem>>
      %dma_start3A_76 = arith.constant 0 : i32
      %dma_start3A_77 = tpu.memref_slice %arg14[%mul3A_4, %dma_start3A_76] : memref<10240x128xf32, #tpu.memory_space<vmem_shared>> -> memref<640x128xf32, #tpu.memory_space<vmem_shared>>
      %dma_start3A_78 = arith.constant 0 : i32
      %dma_start3A_79 = tpu.memref_slice %arg2[%add3A, %dma_start3A_78] : memref<20480x128xf32, #tpu.memory_space<hbm>> -> memref<640x128xf32, #tpu.memory_space<hbm>>
      tpu.enqueue_dma source(%dma_start3A_79 : memref<640x128xf32, #tpu.memory_space<hbm>>) target(%dma_start3A_77 : memref<640x128xf32, #tpu.memory_space<vmem_shared>>) target_semaphore(%run_scoped3A : memref<!tpu.dma_semaphore, #tpu.memory_space<semaphore_mem>>)
      %dma_wait3A = arith.constant 0 : i32
      %dma_wait3A_80 = tpu.memref_slice %arg14[%mul3A_4, %dma_wait3A] : memref<10240x128xf32, #tpu.memory_space<vmem_shared>> -> memref<640x128xf32, #tpu.memory_space<vmem_shared>>
      %dma_wait3A_81 = arith.constant 0 : i32
      %dma_wait3A_82 = tpu.memref_slice %arg2[%add3A, %dma_wait3A_81] : memref<20480x128xf32, #tpu.memory_space<hbm>> -> memref<640x128xf32, #tpu.memory_space<hbm>>
      tpu.wait_dma2 semaphore(%run_scoped3A : memref<!tpu.dma_semaphore, #tpu.memory_space<semaphore_mem>>) src(%dma_wait3A_82 : memref<640x128xf32, #tpu.memory_space<hbm>>) dst(%dma_wait3A_80 : memref<640x128xf32, #tpu.memory_space<vmem_shared>>)
      tpu.yield
    }) : () -> ()
    %barrier3A = arith.constant 0 : index
    tpu.barrier barrier_id(%barrier3A)
    %mul3A_5 = arith.constant 16 : i32
    %mul3A_6 = arith.muli %arg0, %mul3A_5 : i32
    %add3A_7 = arith.addi %mul3A_6, %arg1 : i32
    %mul3A_8 = arith.constant 80 : i32
    %mul3A_9 = arith.muli %add3A_7, %mul3A_8 : i32
    %mul3A_10 = arith.constant 80 : i32
    %mul3A_11 = arith.muli %arg1, %mul3A_10 : i32
    %add3A_12 = arith.constant 0 : i32
    %add3A_13 = arith.addi %mul3A_9, %add3A_12 : i32
    "tpu.region"() ({
      %run_scoped3A = tpu.sem_alloc : memref<!tpu.dma_semaphore, #tpu.memory_space<semaphore_mem>>
      %dma_start3A_76 = arith.constant 0 : i32
      %dma_start3A_77 = tpu.memref_slice %arg3[%add3A_13, %dma_start3A_76] : memref<2560x128xi32, #tpu.memory_space<hbm>> -> memref<40x128xi32, #tpu.memory_space<hbm>>
      %dma_start3A_78 = arith.constant 0 : i32
      %dma_start3A_79 = tpu.memref_slice %arg3[%add3A_13, %dma_start3A_78] : memref<2560x128xi32, #tpu.memory_space<hbm>> -> memref<40x128xi32, #tpu.memory_space<hbm>>
      tpu.enqueue_dma source(%dma_start3A_79 : memref<40x128xi32, #tpu.memory_space<hbm>>) target(%arg6 : memref<40x128xi32, #tpu.memory_space<vmem>>) target_semaphore(%run_scoped3A : memref<!tpu.dma_semaphore, #tpu.memory_space<semaphore_mem>>)
      %dma_wait3A = arith.constant 0 : i32
      %dma_wait3A_80 = tpu.memref_slice %arg3[%add3A_13, %dma_wait3A] : memref<2560x128xi32, #tpu.memory_space<hbm>> -> memref<40x128xi32, #tpu.memory_space<hbm>>
      %dma_wait3A_81 = arith.constant 0 : i32
      %dma_wait3A_82 = tpu.memref_slice %arg3[%add3A_13, %dma_wait3A_81] : memref<2560x128xi32, #tpu.memory_space<hbm>> -> memref<40x128xi32, #tpu.memory_space<hbm>>
      tpu.wait_dma2 semaphore(%run_scoped3A : memref<!tpu.dma_semaphore, #tpu.memory_space<semaphore_mem>>) src(%dma_wait3A_82 : memref<40x128xi32, #tpu.memory_space<hbm>>) dst(%arg6 : memref<40x128xi32, #tpu.memory_space<vmem>>)
      tpu.yield
    }) : () -> ()
    %add3A_14 = arith.constant 0 : i32
    %add3A_15 = arith.addi %mul3A_11, %add3A_14 : i32
    "tpu.region"() ({
      %run_scoped3A = tpu.sem_alloc : memref<!tpu.dma_semaphore, #tpu.memory_space<semaphore_mem>>
      %dma_start3A_76 = arith.constant 0 : i32
      %dma_start3A_77 = tpu.memref_slice %arg4[%add3A_15, %dma_start3A_76] : memref<1280x128xi32, #tpu.memory_space<hbm>> -> memref<40x128xi32, #tpu.memory_space<hbm>>
      %dma_start3A_78 = arith.constant 0 : i32
      %dma_start3A_79 = tpu.memref_slice %arg4[%add3A_15, %dma_start3A_78] : memref<1280x128xi32, #tpu.memory_space<hbm>> -> memref<40x128xi32, #tpu.memory_space<hbm>>
      tpu.enqueue_dma source(%dma_start3A_79 : memref<40x128xi32, #tpu.memory_space<hbm>>) target(%arg7 : memref<40x128xi32, #tpu.memory_space<vmem>>) target_semaphore(%run_scoped3A : memref<!tpu.dma_semaphore, #tpu.memory_space<semaphore_mem>>)
      %dma_wait3A = arith.constant 0 : i32
      %dma_wait3A_80 = tpu.memref_slice %arg4[%add3A_15, %dma_wait3A] : memref<1280x128xi32, #tpu.memory_space<hbm>> -> memref<40x128xi32, #tpu.memory_space<hbm>>
      %dma_wait3A_81 = arith.constant 0 : i32
      %dma_wait3A_82 = tpu.memref_slice %arg4[%add3A_15, %dma_wait3A_81] : memref<1280x128xi32, #tpu.memory_space<hbm>> -> memref<40x128xi32, #tpu.memory_space<hbm>>
      tpu.wait_dma2 semaphore(%run_scoped3A : memref<!tpu.dma_semaphore, #tpu.memory_space<semaphore_mem>>) src(%dma_wait3A_82 : memref<40x128xi32, #tpu.memory_space<hbm>>) dst(%arg7 : memref<40x128xi32, #tpu.memory_space<vmem>>)
      tpu.yield
    }) : () -> ()
    %dma_start3A = arith.constant 0 : i32
    %dma_start3A_16 = arith.constant 0 : i32
    %dma_start3A_17 = arith.constant 0 : i32
    %dma_start3A_18 = tpu.memref_slice %arg8[%dma_start3A_16, %dma_start3A_17] : memref<128x128xf32, #tpu.memory_space<vmem>> -> memref<64x128xf32, #tpu.memory_space<vmem>>
    %dma_start3A_19 = arith.constant 0 : i32
    %dma_start3A_20 = tpu.memref_slice %arg6[%dma_start3A, %dma_start3A_19] : memref<40x128xi32, #tpu.memory_space<vmem>> -> memref<1x64xi32, #tpu.memory_space<vmem>>
    %dma_start3A_21 = tpu.memref_squeeze %dma_start3A_20 : memref<1x64xi32, #tpu.memory_space<vmem>> -> memref<64xi32, #tpu.memory_space<vmem>>
    %dma_start3A_22 = arith.constant 0 : i32
    %dma_start3A_23 = arith.constant 0 : i32
    %dma_start3A_24 = tpu.memref_slice %arg2[%dma_start3A_22, %dma_start3A_23] : memref<20480x128xf32, #tpu.memory_space<hbm>> -> memref<20480x128xf32, #tpu.memory_space<hbm>>
    tpu.enqueue_indirect_dma source(%dma_start3A_24 : memref<20480x128xf32, #tpu.memory_space<hbm>>) target(%dma_start3A_18 : memref<64x128xf32, #tpu.memory_space<vmem>>) offsets(%dma_start3A_21 : memref<64xi32, #tpu.memory_space<vmem>>) semaphore(%arg10 : memref<!tpu.dma_semaphore, #tpu.memory_space<semaphore_mem>>)
    %dma_start3A_25 = arith.constant 0 : i32
    %dma_start3A_26 = arith.constant 64 : i32
    %dma_start3A_27 = arith.constant 0 : i32
    %dma_start3A_28 = tpu.memref_slice %arg8[%dma_start3A_26, %dma_start3A_27] : memref<128x128xf32, #tpu.memory_space<vmem>> -> memref<64x128xf32, #tpu.memory_space<vmem>>
    %dma_start3A_29 = arith.constant 64 : i32
    %dma_start3A_30 = tpu.memref_slice %arg6[%dma_start3A_25, %dma_start3A_29] : memref<40x128xi32, #tpu.memory_space<vmem>> -> memref<1x64xi32, #tpu.memory_space<vmem>>
    %dma_start3A_31 = tpu.memref_squeeze %dma_start3A_30 : memref<1x64xi32, #tpu.memory_space<vmem>> -> memref<64xi32, #tpu.memory_space<vmem>>
    %dma_start3A_32 = arith.constant 0 : i32
    %dma_start3A_33 = arith.constant 0 : i32
    %dma_start3A_34 = tpu.memref_slice %arg2[%dma_start3A_32, %dma_start3A_33] : memref<20480x128xf32, #tpu.memory_space<hbm>> -> memref<20480x128xf32, #tpu.memory_space<hbm>>
    tpu.enqueue_indirect_dma source(%dma_start3A_34 : memref<20480x128xf32, #tpu.memory_space<hbm>>) target(%dma_start3A_28 : memref<64x128xf32, #tpu.memory_space<vmem>>) offsets(%dma_start3A_31 : memref<64xi32, #tpu.memory_space<vmem>>) semaphore(%arg11 : memref<!tpu.dma_semaphore, #tpu.memory_space<semaphore_mem>>)
    %scan3A = arith.constant 0 : i32
    %scan3A_35 = arith.constant 20 : i32
    %scan3A_36 = arith.addi %scan3A, %scan3A_35 : i32
    %scan3A_37 = arith.constant 1 : i32
    scf.for %scan3A_76 = %scan3A to %scan3A_36 step %scan3A_37  : i32 {
      %mul3A_77 = arith.constant 2 : i32
      %mul3A_78 = arith.muli %scan3A_76, %mul3A_77 : i32
      %add3A_79 = arith.constant 0 : i32
      %add3A_80 = arith.addi %add3A_79, %mul3A_78 : i32
      %add3A_81 = arith.constant 1 : i32
      %add3A_82 = arith.addi %add3A_80, %add3A_81 : i32
      %dma_start3A_83 = arith.constant 0 : i32
      %dma_start3A_84 = arith.constant 0 : i32
      %dma_start3A_85 = tpu.memref_slice %arg9[%dma_start3A_83, %dma_start3A_84] : memref<128x128xf32, #tpu.memory_space<vmem>> -> memref<64x128xf32, #tpu.memory_space<vmem>>
      %dma_start3A_86 = arith.constant 0 : i32
      %dma_start3A_87 = tpu.memref_slice %arg6[%add3A_82, %dma_start3A_86] : memref<40x128xi32, #tpu.memory_space<vmem>> -> memref<1x64xi32, #tpu.memory_space<vmem>>
      %dma_start3A_88 = tpu.memref_squeeze %dma_start3A_87 : memref<1x64xi32, #tpu.memory_space<vmem>> -> memref<64xi32, #tpu.memory_space<vmem>>
      %dma_start3A_89 = arith.constant 0 : i32
      %dma_start3A_90 = arith.constant 0 : i32
      %dma_start3A_91 = tpu.memref_slice %arg2[%dma_start3A_89, %dma_start3A_90] : memref<20480x128xf32, #tpu.memory_space<hbm>> -> memref<20480x128xf32, #tpu.memory_space<hbm>>
      tpu.enqueue_indirect_dma source(%dma_start3A_91 : memref<20480x128xf32, #tpu.memory_space<hbm>>) target(%dma_start3A_85 : memref<64x128xf32, #tpu.memory_space<vmem>>) offsets(%dma_start3A_88 : memref<64xi32, #tpu.memory_space<vmem>>) semaphore(%arg12 : memref<!tpu.dma_semaphore, #tpu.memory_space<semaphore_mem>>)
      %add3A_92 = arith.constant 1 : i32
      %add3A_93 = arith.addi %add3A_80, %add3A_92 : i32
      %dma_start3A_94 = arith.constant 64 : i32
      %dma_start3A_95 = arith.constant 0 : i32
      %dma_start3A_96 = tpu.memref_slice %arg9[%dma_start3A_94, %dma_start3A_95] : memref<128x128xf32, #tpu.memory_space<vmem>> -> memref<64x128xf32, #tpu.memory_space<vmem>>
      %dma_start3A_97 = arith.constant 64 : i32
      %dma_start3A_98 = tpu.memref_slice %arg6[%add3A_93, %dma_start3A_97] : memref<40x128xi32, #tpu.memory_space<vmem>> -> memref<1x64xi32, #tpu.memory_space<vmem>>
      %dma_start3A_99 = tpu.memref_squeeze %dma_start3A_98 : memref<1x64xi32, #tpu.memory_space<vmem>> -> memref<64xi32, #tpu.memory_space<vmem>>
      %dma_start3A_100 = arith.constant 0 : i32
      %dma_start3A_101 = arith.constant 0 : i32
      %dma_start3A_102 = tpu.memref_slice %arg2[%dma_start3A_100, %dma_start3A_101] : memref<20480x128xf32, #tpu.memory_space<hbm>> -> memref<20480x128xf32, #tpu.memory_space<hbm>>
      tpu.enqueue_indirect_dma source(%dma_start3A_102 : memref<20480x128xf32, #tpu.memory_space<hbm>>) target(%dma_start3A_96 : memref<64x128xf32, #tpu.memory_space<vmem>>) offsets(%dma_start3A_99 : memref<64xi32, #tpu.memory_space<vmem>>) semaphore(%arg13 : memref<!tpu.dma_semaphore, #tpu.memory_space<semaphore_mem>>)
      %dma_wait3A = arith.constant 0 : i32
      %dma_wait3A_103 = arith.constant 0 : i32
      %dma_wait3A_104 = tpu.memref_slice %arg8[%dma_wait3A, %dma_wait3A_103] : memref<128x128xf32, #tpu.memory_space<vmem>> -> memref<64x128xf32, #tpu.memory_space<vmem>>
      %dma_wait3A_105 = arith.constant 0 : i32
      %dma_wait3A_106 = tpu.memref_slice %arg6[%add3A_80, %dma_wait3A_105] : memref<40x128xi32, #tpu.memory_space<vmem>> -> memref<1x64xi32, #tpu.memory_space<vmem>>
      %dma_wait3A_107 = tpu.memref_squeeze %dma_wait3A_106 : memref<1x64xi32, #tpu.memory_space<vmem>> -> memref<64xi32, #tpu.memory_space<vmem>>
      %dma_wait3A_108 = arith.constant 0 : i32
      %dma_wait3A_109 = arith.constant 0 : i32
      %dma_wait3A_110 = tpu.memref_slice %arg2[%dma_wait3A_108, %dma_wait3A_109] : memref<20480x128xf32, #tpu.memory_space<hbm>> -> memref<20480x128xf32, #tpu.memory_space<hbm>>
      tpu.wait_indirect_dma semaphore(%arg10 : memref<!tpu.dma_semaphore, #tpu.memory_space<semaphore_mem>>) src(%dma_wait3A_110 : memref<20480x128xf32, #tpu.memory_space<hbm>>) dst(%dma_wait3A_104 : memref<64x128xf32, #tpu.memory_space<vmem>>)
      %dma_wait3A_111 = arith.constant 64 : i32
      %dma_wait3A_112 = arith.constant 0 : i32
      %dma_wait3A_113 = tpu.memref_slice %arg8[%dma_wait3A_111, %dma_wait3A_112] : memref<128x128xf32, #tpu.memory_space<vmem>> -> memref<64x128xf32, #tpu.memory_space<vmem>>
      %dma_wait3A_114 = arith.constant 64 : i32
      %dma_wait3A_115 = tpu.memref_slice %arg6[%add3A_80, %dma_wait3A_114] : memref<40x128xi32, #tpu.memory_space<vmem>> -> memref<1x64xi32, #tpu.memory_space<vmem>>
      %dma_wait3A_116 = tpu.memref_squeeze %dma_wait3A_115 : memref<1x64xi32, #tpu.memory_space<vmem>> -> memref<64xi32, #tpu.memory_space<vmem>>
      %dma_wait3A_117 = arith.constant 0 : i32
      %dma_wait3A_118 = arith.constant 0 : i32
      %dma_wait3A_119 = tpu.memref_slice %arg2[%dma_wait3A_117, %dma_wait3A_118] : memref<20480x128xf32, #tpu.memory_space<hbm>> -> memref<20480x128xf32, #tpu.memory_space<hbm>>
      tpu.wait_indirect_dma semaphore(%arg11 : memref<!tpu.dma_semaphore, #tpu.memory_space<semaphore_mem>>) src(%dma_wait3A_119 : memref<20480x128xf32, #tpu.memory_space<hbm>>) dst(%dma_wait3A_113 : memref<64x128xf32, #tpu.memory_space<vmem>>)
      "tpu.region"() ({
        %run_scoped3A = tpu.sem_alloc : memref<!tpu.dma_semaphore, #tpu.memory_space<semaphore_mem>>
        %dma_start3A_148 = arith.constant 0 : i32
        %dma_start3A_149 = tpu.memref_slice %arg7[%add3A_80, %dma_start3A_148] : memref<40x128xi32, #tpu.memory_space<vmem>> -> memref<1x128xi32, #tpu.memory_space<vmem>>
        %dma_start3A_150 = tpu.memref_squeeze %dma_start3A_149 : memref<1x128xi32, #tpu.memory_space<vmem>> -> memref<128xi32, #tpu.memory_space<vmem>>
        %dma_start3A_151 = arith.constant 0 : i32
        %dma_start3A_152 = arith.constant 0 : i32
        %dma_start3A_153 = tpu.memref_slice %arg14[%dma_start3A_151, %dma_start3A_152] : memref<10240x128xf32, #tpu.memory_space<vmem_shared>> -> memref<10240x128xf32, #tpu.memory_space<vmem_shared>>
        tpu.enqueue_indirect_dma source(%arg8 : memref<128x128xf32, #tpu.memory_space<vmem>>) target(%dma_start3A_153 : memref<10240x128xf32, #tpu.memory_space<vmem_shared>>) offsets(%dma_start3A_150 : memref<128xi32, #tpu.memory_space<vmem>>) semaphore(%run_scoped3A : memref<!tpu.dma_semaphore, #tpu.memory_space<semaphore_mem>>) {add = true}
        %dma_wait3A_154 = arith.constant 0 : i32
        %dma_wait3A_155 = tpu.memref_slice %arg7[%add3A_80, %dma_wait3A_154] : memref<40x128xi32, #tpu.memory_space<vmem>> -> memref<1x128xi32, #tpu.memory_space<vmem>>
        %dma_wait3A_156 = tpu.memref_squeeze %dma_wait3A_155 : memref<1x128xi32, #tpu.memory_space<vmem>> -> memref<128xi32, #tpu.memory_space<vmem>>
        %dma_wait3A_157 = arith.constant 0 : i32
        %dma_wait3A_158 = arith.constant 0 : i32
        %dma_wait3A_159 = tpu.memref_slice %arg14[%dma_wait3A_157, %dma_wait3A_158] : memref<10240x128xf32, #tpu.memory_space<vmem_shared>> -> memref<10240x128xf32, #tpu.memory_space<vmem_shared>>
        tpu.wait_indirect_dma semaphore(%run_scoped3A : memref<!tpu.dma_semaphore, #tpu.memory_space<semaphore_mem>>) src(%arg8 : memref<128x128xf32, #tpu.memory_space<vmem>>) dst(%dma_wait3A_159 : memref<10240x128xf32, #tpu.memory_space<vmem_shared>>)
        tpu.yield
      }) : () -> ()
      %add3A_120 = arith.constant 2 : i32
      %add3A_121 = arith.addi %add3A_80, %add3A_120 : i32
      %lt3A = arith.constant 40 : i32
      %lt3A_122 = arith.cmpi slt, %add3A_121, %lt3A : i32
      %convert_element_type3A = arith.extui %lt3A_122 : i1 to i32
      %cond3A = arith.constant 0 : i32
      %cond3A_123 = arith.cmpi ne, %convert_element_type3A, %cond3A : i32
      scf.if %cond3A_123 {
        %add3A_148 = arith.constant 2 : i32
        %add3A_149 = arith.addi %add3A_80, %add3A_148 : i32
        %dma_start3A_150 = arith.constant 0 : i32
        %dma_start3A_151 = arith.constant 0 : i32
        %dma_start3A_152 = tpu.memref_slice %arg8[%dma_start3A_150, %dma_start3A_151] : memref<128x128xf32, #tpu.memory_space<vmem>> -> memref<64x128xf32, #tpu.memory_space<vmem>>
        %dma_start3A_153 = arith.constant 0 : i32
        %dma_start3A_154 = tpu.memref_slice %arg6[%add3A_149, %dma_start3A_153] : memref<40x128xi32, #tpu.memory_space<vmem>> -> memref<1x64xi32, #tpu.memory_space<vmem>>
        %dma_start3A_155 = tpu.memref_squeeze %dma_start3A_154 : memref<1x64xi32, #tpu.memory_space<vmem>> -> memref<64xi32, #tpu.memory_space<vmem>>
        %dma_start3A_156 = arith.constant 0 : i32
        %dma_start3A_157 = arith.constant 0 : i32
        %dma_start3A_158 = tpu.memref_slice %arg2[%dma_start3A_156, %dma_start3A_157] : memref<20480x128xf32, #tpu.memory_space<hbm>> -> memref<20480x128xf32, #tpu.memory_space<hbm>>
        tpu.enqueue_indirect_dma source(%dma_start3A_158 : memref<20480x128xf32, #tpu.memory_space<hbm>>) target(%dma_start3A_152 : memref<64x128xf32, #tpu.memory_space<vmem>>) offsets(%dma_start3A_155 : memref<64xi32, #tpu.memory_space<vmem>>) semaphore(%arg10 : memref<!tpu.dma_semaphore, #tpu.memory_space<semaphore_mem>>)
        %add3A_159 = arith.constant 2 : i32
        %add3A_160 = arith.addi %add3A_80, %add3A_159 : i32
        %dma_start3A_161 = arith.constant 64 : i32
        %dma_start3A_162 = arith.constant 0 : i32
        %dma_start3A_163 = tpu.memref_slice %arg8[%dma_start3A_161, %dma_start3A_162] : memref<128x128xf32, #tpu.memory_space<vmem>> -> memref<64x128xf32, #tpu.memory_space<vmem>>
        %dma_start3A_164 = arith.constant 64 : i32
        %dma_start3A_165 = tpu.memref_slice %arg6[%add3A_160, %dma_start3A_164] : memref<40x128xi32, #tpu.memory_space<vmem>> -> memref<1x64xi32, #tpu.memory_space<vmem>>
        %dma_start3A_166 = tpu.memref_squeeze %dma_start3A_165 : memref<1x64xi32, #tpu.memory_space<vmem>> -> memref<64xi32, #tpu.memory_space<vmem>>
        %dma_start3A_167 = arith.constant 0 : i32
        %dma_start3A_168 = arith.constant 0 : i32
        %dma_start3A_169 = tpu.memref_slice %arg2[%dma_start3A_167, %dma_start3A_168] : memref<20480x128xf32, #tpu.memory_space<hbm>> -> memref<20480x128xf32, #tpu.memory_space<hbm>>
        tpu.enqueue_indirect_dma source(%dma_start3A_169 : memref<20480x128xf32, #tpu.memory_space<hbm>>) target(%dma_start3A_163 : memref<64x128xf32, #tpu.memory_space<vmem>>) offsets(%dma_start3A_166 : memref<64xi32, #tpu.memory_space<vmem>>) semaphore(%arg11 : memref<!tpu.dma_semaphore, #tpu.memory_space<semaphore_mem>>)
      } else {
      }
      %add3A_124 = arith.constant 1 : i32
      %add3A_125 = arith.addi %add3A_80, %add3A_124 : i32
      %dma_wait3A_126 = arith.constant 0 : i32
      %dma_wait3A_127 = arith.constant 0 : i32
      %dma_wait3A_128 = tpu.memref_slice %arg9[%dma_wait3A_126, %dma_wait3A_127] : memref<128x128xf32, #tpu.memory_space<vmem>> -> memref<64x128xf32, #tpu.memory_space<vmem>>
      %dma_wait3A_129 = arith.constant 0 : i32
      %dma_wait3A_130 = tpu.memref_slice %arg6[%add3A_125, %dma_wait3A_129] : memref<40x128xi32, #tpu.memory_space<vmem>> -> memref<1x64xi32, #tpu.memory_space<vmem>>
      %dma_wait3A_131 = tpu.memref_squeeze %dma_wait3A_130 : memref<1x64xi32, #tpu.memory_space<vmem>> -> memref<64xi32, #tpu.memory_space<vmem>>
      %dma_wait3A_132 = arith.constant 0 : i32
      %dma_wait3A_133 = arith.constant 0 : i32
      %dma_wait3A_134 = tpu.memref_slice %arg2[%dma_wait3A_132, %dma_wait3A_133] : memref<20480x128xf32, #tpu.memory_space<hbm>> -> memref<20480x128xf32, #tpu.memory_space<hbm>>
      tpu.wait_indirect_dma semaphore(%arg12 : memref<!tpu.dma_semaphore, #tpu.memory_space<semaphore_mem>>) src(%dma_wait3A_134 : memref<20480x128xf32, #tpu.memory_space<hbm>>) dst(%dma_wait3A_128 : memref<64x128xf32, #tpu.memory_space<vmem>>)
      %add3A_135 = arith.constant 1 : i32
      %add3A_136 = arith.addi %add3A_80, %add3A_135 : i32
      %dma_wait3A_137 = arith.constant 64 : i32
      %dma_wait3A_138 = arith.constant 0 : i32
      %dma_wait3A_139 = tpu.memref_slice %arg9[%dma_wait3A_137, %dma_wait3A_138] : memref<128x128xf32, #tpu.memory_space<vmem>> -> memref<64x128xf32, #tpu.memory_space<vmem>>
      %dma_wait3A_140 = arith.constant 64 : i32
      %dma_wait3A_141 = tpu.memref_slice %arg6[%add3A_136, %dma_wait3A_140] : memref<40x128xi32, #tpu.memory_space<vmem>> -> memref<1x64xi32, #tpu.memory_space<vmem>>
      %dma_wait3A_142 = tpu.memref_squeeze %dma_wait3A_141 : memref<1x64xi32, #tpu.memory_space<vmem>> -> memref<64xi32, #tpu.memory_space<vmem>>
      %dma_wait3A_143 = arith.constant 0 : i32
      %dma_wait3A_144 = arith.constant 0 : i32
      %dma_wait3A_145 = tpu.memref_slice %arg2[%dma_wait3A_143, %dma_wait3A_144] : memref<20480x128xf32, #tpu.memory_space<hbm>> -> memref<20480x128xf32, #tpu.memory_space<hbm>>
      tpu.wait_indirect_dma semaphore(%arg13 : memref<!tpu.dma_semaphore, #tpu.memory_space<semaphore_mem>>) src(%dma_wait3A_145 : memref<20480x128xf32, #tpu.memory_space<hbm>>) dst(%dma_wait3A_139 : memref<64x128xf32, #tpu.memory_space<vmem>>)
      %add3A_146 = arith.constant 1 : i32
      %add3A_147 = arith.addi %add3A_80, %add3A_146 : i32
      "tpu.region"() ({
        %run_scoped3A = tpu.sem_alloc : memref<!tpu.dma_semaphore, #tpu.memory_space<semaphore_mem>>
        %dma_start3A_148 = arith.constant 0 : i32
        %dma_start3A_149 = tpu.memref_slice %arg7[%add3A_147, %dma_start3A_148] : memref<40x128xi32, #tpu.memory_space<vmem>> -> memref<1x128xi32, #tpu.memory_space<vmem>>
        %dma_start3A_150 = tpu.memref_squeeze %dma_start3A_149 : memref<1x128xi32, #tpu.memory_space<vmem>> -> memref<128xi32, #tpu.memory_space<vmem>>
        %dma_start3A_151 = arith.constant 0 : i32
        %dma_start3A_152 = arith.constant 0 : i32
        %dma_start3A_153 = tpu.memref_slice %arg14[%dma_start3A_151, %dma_start3A_152] : memref<10240x128xf32, #tpu.memory_space<vmem_shared>> -> memref<10240x128xf32, #tpu.memory_space<vmem_shared>>
        tpu.enqueue_indirect_dma source(%arg9 : memref<128x128xf32, #tpu.memory_space<vmem>>) target(%dma_start3A_153 : memref<10240x128xf32, #tpu.memory_space<vmem_shared>>) offsets(%dma_start3A_150 : memref<128xi32, #tpu.memory_space<vmem>>) semaphore(%run_scoped3A : memref<!tpu.dma_semaphore, #tpu.memory_space<semaphore_mem>>) {add = true}
        %dma_wait3A_154 = arith.constant 0 : i32
        %dma_wait3A_155 = tpu.memref_slice %arg7[%add3A_147, %dma_wait3A_154] : memref<40x128xi32, #tpu.memory_space<vmem>> -> memref<1x128xi32, #tpu.memory_space<vmem>>
        %dma_wait3A_156 = tpu.memref_squeeze %dma_wait3A_155 : memref<1x128xi32, #tpu.memory_space<vmem>> -> memref<128xi32, #tpu.memory_space<vmem>>
        %dma_wait3A_157 = arith.constant 0 : i32
        %dma_wait3A_158 = arith.constant 0 : i32
        %dma_wait3A_159 = tpu.memref_slice %arg14[%dma_wait3A_157, %dma_wait3A_158] : memref<10240x128xf32, #tpu.memory_space<vmem_shared>> -> memref<10240x128xf32, #tpu.memory_space<vmem_shared>>
        tpu.wait_indirect_dma semaphore(%run_scoped3A : memref<!tpu.dma_semaphore, #tpu.memory_space<semaphore_mem>>) src(%arg9 : memref<128x128xf32, #tpu.memory_space<vmem>>) dst(%dma_wait3A_159 : memref<10240x128xf32, #tpu.memory_space<vmem_shared>>)
        tpu.yield
      }) : () -> ()
    }
    %scan3A_38 = arith.constant 20 : i32
    %add3A_39 = arith.constant 40 : i32
    %add3A_40 = arith.addi %mul3A_9, %add3A_39 : i32
    "tpu.region"() ({
      %run_scoped3A = tpu.sem_alloc : memref<!tpu.dma_semaphore, #tpu.memory_space<semaphore_mem>>
      %dma_start3A_76 = arith.constant 0 : i32
      %dma_start3A_77 = tpu.memref_slice %arg3[%add3A_40, %dma_start3A_76] : memref<2560x128xi32, #tpu.memory_space<hbm>> -> memref<40x128xi32, #tpu.memory_space<hbm>>
      %dma_start3A_78 = arith.constant 0 : i32
      %dma_start3A_79 = tpu.memref_slice %arg3[%add3A_40, %dma_start3A_78] : memref<2560x128xi32, #tpu.memory_space<hbm>> -> memref<40x128xi32, #tpu.memory_space<hbm>>
      tpu.enqueue_dma source(%dma_start3A_79 : memref<40x128xi32, #tpu.memory_space<hbm>>) target(%arg6 : memref<40x128xi32, #tpu.memory_space<vmem>>) target_semaphore(%run_scoped3A : memref<!tpu.dma_semaphore, #tpu.memory_space<semaphore_mem>>)
      %dma_wait3A = arith.constant 0 : i32
      %dma_wait3A_80 = tpu.memref_slice %arg3[%add3A_40, %dma_wait3A] : memref<2560x128xi32, #tpu.memory_space<hbm>> -> memref<40x128xi32, #tpu.memory_space<hbm>>
      %dma_wait3A_81 = arith.constant 0 : i32
      %dma_wait3A_82 = tpu.memref_slice %arg3[%add3A_40, %dma_wait3A_81] : memref<2560x128xi32, #tpu.memory_space<hbm>> -> memref<40x128xi32, #tpu.memory_space<hbm>>
      tpu.wait_dma2 semaphore(%run_scoped3A : memref<!tpu.dma_semaphore, #tpu.memory_space<semaphore_mem>>) src(%dma_wait3A_82 : memref<40x128xi32, #tpu.memory_space<hbm>>) dst(%arg6 : memref<40x128xi32, #tpu.memory_space<vmem>>)
      tpu.yield
    }) : () -> ()
    %add3A_41 = arith.constant 40 : i32
    %add3A_42 = arith.addi %mul3A_11, %add3A_41 : i32
    "tpu.region"() ({
      %run_scoped3A = tpu.sem_alloc : memref<!tpu.dma_semaphore, #tpu.memory_space<semaphore_mem>>
      %dma_start3A_76 = arith.constant 0 : i32
      %dma_start3A_77 = tpu.memref_slice %arg4[%add3A_42, %dma_start3A_76] : memref<1280x128xi32, #tpu.memory_space<hbm>> -> memref<40x128xi32, #tpu.memory_space<hbm>>
      %dma_start3A_78 = arith.constant 0 : i32
      %dma_start3A_79 = tpu.memref_slice %arg4[%add3A_42, %dma_start3A_78] : memref<1280x128xi32, #tpu.memory_space<hbm>> -> memref<40x128xi32, #tpu.memory_space<hbm>>
      tpu.enqueue_dma source(%dma_start3A_79 : memref<40x128xi32, #tpu.memory_space<hbm>>) target(%arg7 : memref<40x128xi32, #tpu.memory_space<vmem>>) target_semaphore(%run_scoped3A : memref<!tpu.dma_semaphore, #tpu.memory_space<semaphore_mem>>)
      %dma_wait3A = arith.constant 0 : i32
      %dma_wait3A_80 = tpu.memref_slice %arg4[%add3A_42, %dma_wait3A] : memref<1280x128xi32, #tpu.memory_space<hbm>> -> memref<40x128xi32, #tpu.memory_space<hbm>>
      %dma_wait3A_81 = arith.constant 0 : i32
      %dma_wait3A_82 = tpu.memref_slice %arg4[%add3A_42, %dma_wait3A_81] : memref<1280x128xi32, #tpu.memory_space<hbm>> -> memref<40x128xi32, #tpu.memory_space<hbm>>
      tpu.wait_dma2 semaphore(%run_scoped3A : memref<!tpu.dma_semaphore, #tpu.memory_space<semaphore_mem>>) src(%dma_wait3A_82 : memref<40x128xi32, #tpu.memory_space<hbm>>) dst(%arg7 : memref<40x128xi32, #tpu.memory_space<vmem>>)
      tpu.yield
    }) : () -> ()
    %dma_start3A_43 = arith.constant 0 : i32
    %dma_start3A_44 = arith.constant 0 : i32
    %dma_start3A_45 = arith.constant 0 : i32
    %dma_start3A_46 = tpu.memref_slice %arg8[%dma_start3A_44, %dma_start3A_45] : memref<128x128xf32, #tpu.memory_space<vmem>> -> memref<64x128xf32, #tpu.memory_space<vmem>>
    %dma_start3A_47 = arith.constant 0 : i32
    %dma_start3A_48 = tpu.memref_slice %arg6[%dma_start3A_43, %dma_start3A_47] : memref<40x128xi32, #tpu.memory_space<vmem>> -> memref<1x64xi32, #tpu.memory_space<vmem>>
    %dma_start3A_49 = tpu.memref_squeeze %dma_start3A_48 : memref<1x64xi32, #tpu.memory_space<vmem>> -> memref<64xi32, #tpu.memory_space<vmem>>
    %dma_start3A_50 = arith.constant 0 : i32
    %dma_start3A_51 = arith.constant 0 : i32
    %dma_start3A_52 = tpu.memref_slice %arg2[%dma_start3A_50, %dma_start3A_51] : memref<20480x128xf32, #tpu.memory_space<hbm>> -> memref<20480x128xf32, #tpu.memory_space<hbm>>
    tpu.enqueue_indirect_dma source(%dma_start3A_52 : memref<20480x128xf32, #tpu.memory_space<hbm>>) target(%dma_start3A_46 : memref<64x128xf32, #tpu.memory_space<vmem>>) offsets(%dma_start3A_49 : memref<64xi32, #tpu.memory_space<vmem>>) semaphore(%arg10 : memref<!tpu.dma_semaphore, #tpu.memory_space<semaphore_mem>>)
    %dma_start3A_53 = arith.constant 0 : i32
    %dma_start3A_54 = arith.constant 64 : i32
    %dma_start3A_55 = arith.constant 0 : i32
    %dma_start3A_56 = tpu.memref_slice %arg8[%dma_start3A_54, %dma_start3A_55] : memref<128x128xf32, #tpu.memory_space<vmem>> -> memref<64x128xf32, #tpu.memory_space<vmem>>
    %dma_start3A_57 = arith.constant 64 : i32
    %dma_start3A_58 = tpu.memref_slice %arg6[%dma_start3A_53, %dma_start3A_57] : memref<40x128xi32, #tpu.memory_space<vmem>> -> memref<1x64xi32, #tpu.memory_space<vmem>>
    %dma_start3A_59 = tpu.memref_squeeze %dma_start3A_58 : memref<1x64xi32, #tpu.memory_space<vmem>> -> memref<64xi32, #tpu.memory_space<vmem>>
    %dma_start3A_60 = arith.constant 0 : i32
    %dma_start3A_61 = arith.constant 0 : i32
    %dma_start3A_62 = tpu.memref_slice %arg2[%dma_start3A_60, %dma_start3A_61] : memref<20480x128xf32, #tpu.memory_space<hbm>> -> memref<20480x128xf32, #tpu.memory_space<hbm>>
    tpu.enqueue_indirect_dma source(%dma_start3A_62 : memref<20480x128xf32, #tpu.memory_space<hbm>>) target(%dma_start3A_56 : memref<64x128xf32, #tpu.memory_space<vmem>>) offsets(%dma_start3A_59 : memref<64xi32, #tpu.memory_space<vmem>>) semaphore(%arg11 : memref<!tpu.dma_semaphore, #tpu.memory_space<semaphore_mem>>)
    %scan3A_63 = arith.constant 0 : i32
    %scan3A_64 = arith.constant 20 : i32
    %scan3A_65 = arith.addi %scan3A_63, %scan3A_64 : i32
    %scan3A_66 = arith.constant 1 : i32
    scf.for %scan3A_76 = %scan3A_63 to %scan3A_65 step %scan3A_66  : i32 {
      %mul3A_77 = arith.constant 2 : i32
      %mul3A_78 = arith.muli %scan3A_76, %mul3A_77 : i32
      %add3A_79 = arith.constant 0 : i32
      %add3A_80 = arith.addi %add3A_79, %mul3A_78 : i32
      %add3A_81 = arith.constant 1 : i32
      %add3A_82 = arith.addi %add3A_80, %add3A_81 : i32
      %dma_start3A_83 = arith.constant 0 : i32
      %dma_start3A_84 = arith.constant 0 : i32
      %dma_start3A_85 = tpu.memref_slice %arg9[%dma_start3A_83, %dma_start3A_84] : memref<128x128xf32, #tpu.memory_space<vmem>> -> memref<64x128xf32, #tpu.memory_space<vmem>>
      %dma_start3A_86 = arith.constant 0 : i32
      %dma_start3A_87 = tpu.memref_slice %arg6[%add3A_82, %dma_start3A_86] : memref<40x128xi32, #tpu.memory_space<vmem>> -> memref<1x64xi32, #tpu.memory_space<vmem>>
      %dma_start3A_88 = tpu.memref_squeeze %dma_start3A_87 : memref<1x64xi32, #tpu.memory_space<vmem>> -> memref<64xi32, #tpu.memory_space<vmem>>
      %dma_start3A_89 = arith.constant 0 : i32
      %dma_start3A_90 = arith.constant 0 : i32
      %dma_start3A_91 = tpu.memref_slice %arg2[%dma_start3A_89, %dma_start3A_90] : memref<20480x128xf32, #tpu.memory_space<hbm>> -> memref<20480x128xf32, #tpu.memory_space<hbm>>
      tpu.enqueue_indirect_dma source(%dma_start3A_91 : memref<20480x128xf32, #tpu.memory_space<hbm>>) target(%dma_start3A_85 : memref<64x128xf32, #tpu.memory_space<vmem>>) offsets(%dma_start3A_88 : memref<64xi32, #tpu.memory_space<vmem>>) semaphore(%arg12 : memref<!tpu.dma_semaphore, #tpu.memory_space<semaphore_mem>>)
      %add3A_92 = arith.constant 1 : i32
      %add3A_93 = arith.addi %add3A_80, %add3A_92 : i32
      %dma_start3A_94 = arith.constant 64 : i32
      %dma_start3A_95 = arith.constant 0 : i32
      %dma_start3A_96 = tpu.memref_slice %arg9[%dma_start3A_94, %dma_start3A_95] : memref<128x128xf32, #tpu.memory_space<vmem>> -> memref<64x128xf32, #tpu.memory_space<vmem>>
      %dma_start3A_97 = arith.constant 64 : i32
      %dma_start3A_98 = tpu.memref_slice %arg6[%add3A_93, %dma_start3A_97] : memref<40x128xi32, #tpu.memory_space<vmem>> -> memref<1x64xi32, #tpu.memory_space<vmem>>
      %dma_start3A_99 = tpu.memref_squeeze %dma_start3A_98 : memref<1x64xi32, #tpu.memory_space<vmem>> -> memref<64xi32, #tpu.memory_space<vmem>>
      %dma_start3A_100 = arith.constant 0 : i32
      %dma_start3A_101 = arith.constant 0 : i32
      %dma_start3A_102 = tpu.memref_slice %arg2[%dma_start3A_100, %dma_start3A_101] : memref<20480x128xf32, #tpu.memory_space<hbm>> -> memref<20480x128xf32, #tpu.memory_space<hbm>>
      tpu.enqueue_indirect_dma source(%dma_start3A_102 : memref<20480x128xf32, #tpu.memory_space<hbm>>) target(%dma_start3A_96 : memref<64x128xf32, #tpu.memory_space<vmem>>) offsets(%dma_start3A_99 : memref<64xi32, #tpu.memory_space<vmem>>) semaphore(%arg13 : memref<!tpu.dma_semaphore, #tpu.memory_space<semaphore_mem>>)
      %dma_wait3A = arith.constant 0 : i32
      %dma_wait3A_103 = arith.constant 0 : i32
      %dma_wait3A_104 = tpu.memref_slice %arg8[%dma_wait3A, %dma_wait3A_103] : memref<128x128xf32, #tpu.memory_space<vmem>> -> memref<64x128xf32, #tpu.memory_space<vmem>>
      %dma_wait3A_105 = arith.constant 0 : i32
      %dma_wait3A_106 = tpu.memref_slice %arg6[%add3A_80, %dma_wait3A_105] : memref<40x128xi32, #tpu.memory_space<vmem>> -> memref<1x64xi32, #tpu.memory_space<vmem>>
      %dma_wait3A_107 = tpu.memref_squeeze %dma_wait3A_106 : memref<1x64xi32, #tpu.memory_space<vmem>> -> memref<64xi32, #tpu.memory_space<vmem>>
      %dma_wait3A_108 = arith.constant 0 : i32
      %dma_wait3A_109 = arith.constant 0 : i32
      %dma_wait3A_110 = tpu.memref_slice %arg2[%dma_wait3A_108, %dma_wait3A_109] : memref<20480x128xf32, #tpu.memory_space<hbm>> -> memref<20480x128xf32, #tpu.memory_space<hbm>>
      tpu.wait_indirect_dma semaphore(%arg10 : memref<!tpu.dma_semaphore, #tpu.memory_space<semaphore_mem>>) src(%dma_wait3A_110 : memref<20480x128xf32, #tpu.memory_space<hbm>>) dst(%dma_wait3A_104 : memref<64x128xf32, #tpu.memory_space<vmem>>)
      %dma_wait3A_111 = arith.constant 64 : i32
      %dma_wait3A_112 = arith.constant 0 : i32
      %dma_wait3A_113 = tpu.memref_slice %arg8[%dma_wait3A_111, %dma_wait3A_112] : memref<128x128xf32, #tpu.memory_space<vmem>> -> memref<64x128xf32, #tpu.memory_space<vmem>>
      %dma_wait3A_114 = arith.constant 64 : i32
      %dma_wait3A_115 = tpu.memref_slice %arg6[%add3A_80, %dma_wait3A_114] : memref<40x128xi32, #tpu.memory_space<vmem>> -> memref<1x64xi32, #tpu.memory_space<vmem>>
      %dma_wait3A_116 = tpu.memref_squeeze %dma_wait3A_115 : memref<1x64xi32, #tpu.memory_space<vmem>> -> memref<64xi32, #tpu.memory_space<vmem>>
      %dma_wait3A_117 = arith.constant 0 : i32
      %dma_wait3A_118 = arith.constant 0 : i32
      %dma_wait3A_119 = tpu.memref_slice %arg2[%dma_wait3A_117, %dma_wait3A_118] : memref<20480x128xf32, #tpu.memory_space<hbm>> -> memref<20480x128xf32, #tpu.memory_space<hbm>>
      tpu.wait_indirect_dma semaphore(%arg11 : memref<!tpu.dma_semaphore, #tpu.memory_space<semaphore_mem>>) src(%dma_wait3A_119 : memref<20480x128xf32, #tpu.memory_space<hbm>>) dst(%dma_wait3A_113 : memref<64x128xf32, #tpu.memory_space<vmem>>)
      "tpu.region"() ({
        %run_scoped3A = tpu.sem_alloc : memref<!tpu.dma_semaphore, #tpu.memory_space<semaphore_mem>>
        %dma_start3A_148 = arith.constant 0 : i32
        %dma_start3A_149 = tpu.memref_slice %arg7[%add3A_80, %dma_start3A_148] : memref<40x128xi32, #tpu.memory_space<vmem>> -> memref<1x128xi32, #tpu.memory_space<vmem>>
        %dma_start3A_150 = tpu.memref_squeeze %dma_start3A_149 : memref<1x128xi32, #tpu.memory_space<vmem>> -> memref<128xi32, #tpu.memory_space<vmem>>
        %dma_start3A_151 = arith.constant 0 : i32
        %dma_start3A_152 = arith.constant 0 : i32
        %dma_start3A_153 = tpu.memref_slice %arg14[%dma_start3A_151, %dma_start3A_152] : memref<10240x128xf32, #tpu.memory_space<vmem_shared>> -> memref<10240x128xf32, #tpu.memory_space<vmem_shared>>
        tpu.enqueue_indirect_dma source(%arg8 : memref<128x128xf32, #tpu.memory_space<vmem>>) target(%dma_start3A_153 : memref<10240x128xf32, #tpu.memory_space<vmem_shared>>) offsets(%dma_start3A_150 : memref<128xi32, #tpu.memory_space<vmem>>) semaphore(%run_scoped3A : memref<!tpu.dma_semaphore, #tpu.memory_space<semaphore_mem>>) {add = true}
        %dma_wait3A_154 = arith.constant 0 : i32
        %dma_wait3A_155 = tpu.memref_slice %arg7[%add3A_80, %dma_wait3A_154] : memref<40x128xi32, #tpu.memory_space<vmem>> -> memref<1x128xi32, #tpu.memory_space<vmem>>
        %dma_wait3A_156 = tpu.memref_squeeze %dma_wait3A_155 : memref<1x128xi32, #tpu.memory_space<vmem>> -> memref<128xi32, #tpu.memory_space<vmem>>
        %dma_wait3A_157 = arith.constant 0 : i32
        %dma_wait3A_158 = arith.constant 0 : i32
        %dma_wait3A_159 = tpu.memref_slice %arg14[%dma_wait3A_157, %dma_wait3A_158] : memref<10240x128xf32, #tpu.memory_space<vmem_shared>> -> memref<10240x128xf32, #tpu.memory_space<vmem_shared>>
        tpu.wait_indirect_dma semaphore(%run_scoped3A : memref<!tpu.dma_semaphore, #tpu.memory_space<semaphore_mem>>) src(%arg8 : memref<128x128xf32, #tpu.memory_space<vmem>>) dst(%dma_wait3A_159 : memref<10240x128xf32, #tpu.memory_space<vmem_shared>>)
        tpu.yield
      }) : () -> ()
      %add3A_120 = arith.constant 2 : i32
      %add3A_121 = arith.addi %add3A_80, %add3A_120 : i32
      %lt3A = arith.constant 40 : i32
      %lt3A_122 = arith.cmpi slt, %add3A_121, %lt3A : i32
      %convert_element_type3A = arith.extui %lt3A_122 : i1 to i32
      %cond3A = arith.constant 0 : i32
      %cond3A_123 = arith.cmpi ne, %convert_element_type3A, %cond3A : i32
      scf.if %cond3A_123 {
        %add3A_148 = arith.constant 2 : i32
        %add3A_149 = arith.addi %add3A_80, %add3A_148 : i32
        %dma_start3A_150 = arith.constant 0 : i32
        %dma_start3A_151 = arith.constant 0 : i32
        %dma_start3A_152 = tpu.memref_slice %arg8[%dma_start3A_150, %dma_start3A_151] : memref<128x128xf32, #tpu.memory_space<vmem>> -> memref<64x128xf32, #tpu.memory_space<vmem>>
        %dma_start3A_153 = arith.constant 0 : i32
        %dma_start3A_154 = tpu.memref_slice %arg6[%add3A_149, %dma_start3A_153] : memref<40x128xi32, #tpu.memory_space<vmem>> -> memref<1x64xi32, #tpu.memory_space<vmem>>
        %dma_start3A_155 = tpu.memref_squeeze %dma_start3A_154 : memref<1x64xi32, #tpu.memory_space<vmem>> -> memref<64xi32, #tpu.memory_space<vmem>>
        %dma_start3A_156 = arith.constant 0 : i32
        %dma_start3A_157 = arith.constant 0 : i32
        %dma_start3A_158 = tpu.memref_slice %arg2[%dma_start3A_156, %dma_start3A_157] : memref<20480x128xf32, #tpu.memory_space<hbm>> -> memref<20480x128xf32, #tpu.memory_space<hbm>>
        tpu.enqueue_indirect_dma source(%dma_start3A_158 : memref<20480x128xf32, #tpu.memory_space<hbm>>) target(%dma_start3A_152 : memref<64x128xf32, #tpu.memory_space<vmem>>) offsets(%dma_start3A_155 : memref<64xi32, #tpu.memory_space<vmem>>) semaphore(%arg10 : memref<!tpu.dma_semaphore, #tpu.memory_space<semaphore_mem>>)
        %add3A_159 = arith.constant 2 : i32
        %add3A_160 = arith.addi %add3A_80, %add3A_159 : i32
        %dma_start3A_161 = arith.constant 64 : i32
        %dma_start3A_162 = arith.constant 0 : i32
        %dma_start3A_163 = tpu.memref_slice %arg8[%dma_start3A_161, %dma_start3A_162] : memref<128x128xf32, #tpu.memory_space<vmem>> -> memref<64x128xf32, #tpu.memory_space<vmem>>
        %dma_start3A_164 = arith.constant 64 : i32
        %dma_start3A_165 = tpu.memref_slice %arg6[%add3A_160, %dma_start3A_164] : memref<40x128xi32, #tpu.memory_space<vmem>> -> memref<1x64xi32, #tpu.memory_space<vmem>>
        %dma_start3A_166 = tpu.memref_squeeze %dma_start3A_165 : memref<1x64xi32, #tpu.memory_space<vmem>> -> memref<64xi32, #tpu.memory_space<vmem>>
        %dma_start3A_167 = arith.constant 0 : i32
        %dma_start3A_168 = arith.constant 0 : i32
        %dma_start3A_169 = tpu.memref_slice %arg2[%dma_start3A_167, %dma_start3A_168] : memref<20480x128xf32, #tpu.memory_space<hbm>> -> memref<20480x128xf32, #tpu.memory_space<hbm>>
        tpu.enqueue_indirect_dma source(%dma_start3A_169 : memref<20480x128xf32, #tpu.memory_space<hbm>>) target(%dma_start3A_163 : memref<64x128xf32, #tpu.memory_space<vmem>>) offsets(%dma_start3A_166 : memref<64xi32, #tpu.memory_space<vmem>>) semaphore(%arg11 : memref<!tpu.dma_semaphore, #tpu.memory_space<semaphore_mem>>)
      } else {
      }
      %add3A_124 = arith.constant 1 : i32
      %add3A_125 = arith.addi %add3A_80, %add3A_124 : i32
      %dma_wait3A_126 = arith.constant 0 : i32
      %dma_wait3A_127 = arith.constant 0 : i32
      %dma_wait3A_128 = tpu.memref_slice %arg9[%dma_wait3A_126, %dma_wait3A_127] : memref<128x128xf32, #tpu.memory_space<vmem>> -> memref<64x128xf32, #tpu.memory_space<vmem>>
      %dma_wait3A_129 = arith.constant 0 : i32
      %dma_wait3A_130 = tpu.memref_slice %arg6[%add3A_125, %dma_wait3A_129] : memref<40x128xi32, #tpu.memory_space<vmem>> -> memref<1x64xi32, #tpu.memory_space<vmem>>
      %dma_wait3A_131 = tpu.memref_squeeze %dma_wait3A_130 : memref<1x64xi32, #tpu.memory_space<vmem>> -> memref<64xi32, #tpu.memory_space<vmem>>
      %dma_wait3A_132 = arith.constant 0 : i32
      %dma_wait3A_133 = arith.constant 0 : i32
      %dma_wait3A_134 = tpu.memref_slice %arg2[%dma_wait3A_132, %dma_wait3A_133] : memref<20480x128xf32, #tpu.memory_space<hbm>> -> memref<20480x128xf32, #tpu.memory_space<hbm>>
      tpu.wait_indirect_dma semaphore(%arg12 : memref<!tpu.dma_semaphore, #tpu.memory_space<semaphore_mem>>) src(%dma_wait3A_134 : memref<20480x128xf32, #tpu.memory_space<hbm>>) dst(%dma_wait3A_128 : memref<64x128xf32, #tpu.memory_space<vmem>>)
      %add3A_135 = arith.constant 1 : i32
      %add3A_136 = arith.addi %add3A_80, %add3A_135 : i32
      %dma_wait3A_137 = arith.constant 64 : i32
      %dma_wait3A_138 = arith.constant 0 : i32
      %dma_wait3A_139 = tpu.memref_slice %arg9[%dma_wait3A_137, %dma_wait3A_138] : memref<128x128xf32, #tpu.memory_space<vmem>> -> memref<64x128xf32, #tpu.memory_space<vmem>>
      %dma_wait3A_140 = arith.constant 64 : i32
      %dma_wait3A_141 = tpu.memref_slice %arg6[%add3A_136, %dma_wait3A_140] : memref<40x128xi32, #tpu.memory_space<vmem>> -> memref<1x64xi32, #tpu.memory_space<vmem>>
      %dma_wait3A_142 = tpu.memref_squeeze %dma_wait3A_141 : memref<1x64xi32, #tpu.memory_space<vmem>> -> memref<64xi32, #tpu.memory_space<vmem>>
      %dma_wait3A_143 = arith.constant 0 : i32
      %dma_wait3A_144 = arith.constant 0 : i32
      %dma_wait3A_145 = tpu.memref_slice %arg2[%dma_wait3A_143, %dma_wait3A_144] : memref<20480x128xf32, #tpu.memory_space<hbm>> -> memref<20480x128xf32, #tpu.memory_space<hbm>>
      tpu.wait_indirect_dma semaphore(%arg13 : memref<!tpu.dma_semaphore, #tpu.memory_space<semaphore_mem>>) src(%dma_wait3A_145 : memref<20480x128xf32, #tpu.memory_space<hbm>>) dst(%dma_wait3A_139 : memref<64x128xf32, #tpu.memory_space<vmem>>)
      %add3A_146 = arith.constant 1 : i32
      %add3A_147 = arith.addi %add3A_80, %add3A_146 : i32
      "tpu.region"() ({
        %run_scoped3A = tpu.sem_alloc : memref<!tpu.dma_semaphore, #tpu.memory_space<semaphore_mem>>
        %dma_start3A_148 = arith.constant 0 : i32
        %dma_start3A_149 = tpu.memref_slice %arg7[%add3A_147, %dma_start3A_148] : memref<40x128xi32, #tpu.memory_space<vmem>> -> memref<1x128xi32, #tpu.memory_space<vmem>>
        %dma_start3A_150 = tpu.memref_squeeze %dma_start3A_149 : memref<1x128xi32, #tpu.memory_space<vmem>> -> memref<128xi32, #tpu.memory_space<vmem>>
        %dma_start3A_151 = arith.constant 0 : i32
        %dma_start3A_152 = arith.constant 0 : i32
        %dma_start3A_153 = tpu.memref_slice %arg14[%dma_start3A_151, %dma_start3A_152] : memref<10240x128xf32, #tpu.memory_space<vmem_shared>> -> memref<10240x128xf32, #tpu.memory_space<vmem_shared>>
        tpu.enqueue_indirect_dma source(%arg9 : memref<128x128xf32, #tpu.memory_space<vmem>>) target(%dma_start3A_153 : memref<10240x128xf32, #tpu.memory_space<vmem_shared>>) offsets(%dma_start3A_150 : memref<128xi32, #tpu.memory_space<vmem>>) semaphore(%run_scoped3A : memref<!tpu.dma_semaphore, #tpu.memory_space<semaphore_mem>>) {add = true}
        %dma_wait3A_154 = arith.constant 0 : i32
        %dma_wait3A_155 = tpu.memref_slice %arg7[%add3A_147, %dma_wait3A_154] : memref<40x128xi32, #tpu.memory_space<vmem>> -> memref<1x128xi32, #tpu.memory_space<vmem>>
        %dma_wait3A_156 = tpu.memref_squeeze %dma_wait3A_155 : memref<1x128xi32, #tpu.memory_space<vmem>> -> memref<128xi32, #tpu.memory_space<vmem>>
        %dma_wait3A_157 = arith.constant 0 : i32
        %dma_wait3A_158 = arith.constant 0 : i32
        %dma_wait3A_159 = tpu.memref_slice %arg14[%dma_wait3A_157, %dma_wait3A_158] : memref<10240x128xf32, #tpu.memory_space<vmem_shared>> -> memref<10240x128xf32, #tpu.memory_space<vmem_shared>>
        tpu.wait_indirect_dma semaphore(%run_scoped3A : memref<!tpu.dma_semaphore, #tpu.memory_space<semaphore_mem>>) src(%arg9 : memref<128x128xf32, #tpu.memory_space<vmem>>) dst(%dma_wait3A_159 : memref<10240x128xf32, #tpu.memory_space<vmem_shared>>)
        tpu.yield
      }) : () -> ()
    }
    %scan3A_67 = arith.constant 20 : i32
    %barrier3A_68 = arith.constant 0 : index
    tpu.barrier barrier_id(%barrier3A_68)
    %mul3A_69 = arith.constant 640 : i32
    %mul3A_70 = arith.muli %arg1, %mul3A_69 : i32
    %mul3A_71 = arith.constant 10240 : i32
    %mul3A_72 = arith.muli %arg0, %mul3A_71 : i32
    %mul3A_73 = arith.constant 640 : i32
    %mul3A_74 = arith.muli %arg1, %mul3A_73 : i32
    %add3A_75 = arith.addi %mul3A_72, %mul3A_74 : i32
    "tpu.region"() ({
      %run_scoped3A = tpu.sem_alloc : memref<!tpu.dma_semaphore, #tpu.memory_space<semaphore_mem>>
      %dma_start3A_76 = arith.constant 0 : i32
      %dma_start3A_77 = tpu.memref_slice %arg5[%add3A_75, %dma_start3A_76] : memref<20480x128xf32, #tpu.memory_space<hbm>> -> memref<640x128xf32, #tpu.memory_space<hbm>>
      %dma_start3A_78 = arith.constant 0 : i32
      %dma_start3A_79 = tpu.memref_slice %arg14[%mul3A_70, %dma_start3A_78] : memref<10240x128xf32, #tpu.memory_space<vmem_shared>> -> memref<640x128xf32, #tpu.memory_space<vmem_shared>>
      tpu.enqueue_dma source(%dma_start3A_79 : memref<640x128xf32, #tpu.memory_space<vmem_shared>>) target(%dma_start3A_77 : memref<640x128xf32, #tpu.memory_space<hbm>>) target_semaphore(%run_scoped3A : memref<!tpu.dma_semaphore, #tpu.memory_space<semaphore_mem>>)
      %dma_wait3A = arith.constant 0 : i32
      %dma_wait3A_80 = tpu.memref_slice %arg5[%add3A_75, %dma_wait3A] : memref<20480x128xf32, #tpu.memory_space<hbm>> -> memref<640x128xf32, #tpu.memory_space<hbm>>
      %dma_wait3A_81 = arith.constant 0 : i32
      %dma_wait3A_82 = tpu.memref_slice %arg14[%mul3A_70, %dma_wait3A_81] : memref<10240x128xf32, #tpu.memory_space<vmem_shared>> -> memref<640x128xf32, #tpu.memory_space<vmem_shared>>
      tpu.wait_dma2 semaphore(%run_scoped3A : memref<!tpu.dma_semaphore, #tpu.memory_space<semaphore_mem>>) src(%dma_wait3A_82 : memref<640x128xf32, #tpu.memory_space<vmem_shared>>) dst(%dma_wait3A_80 : memref<640x128xf32, #tpu.memory_space<hbm>>)
      tpu.yield
    }) : () -> ()
    return
  }
}

module attributes {stable_mosaic.version = 14 : i64} {
  func.func @body(%arg0: i32, %arg1: memref<2000x256xf32, #tpu.memory_space<vmem>>, %arg2: memref<256x256xf32, #tpu.memory_space<vmem>>, %arg3: memref<2000x256xf32, #tpu.memory_space<vmem>>) attributes {dimension_semantics = [#tpu.dimension_semantics<arbitrary>], iteration_bounds = array<i64: 5>, scalar_prefetch = 0 : i64, scratch_operands = 0 : i64, tpu.core_type = #tpu.core_type<tc>, window_params = [{transform_indices = @transform_0, window_bounds = array<i64: 2000, 256>}, {pipeline_mode = #tpu.pipeline_mode<synchronous>, transform_indices = @transform_1, window_bounds = array<i64: 256, 256>}, {transform_indices = @transform_2, window_bounds = array<i64: 2000, 256>}]} {
    %get3A = arith.constant 0 : index
    %get3A_0 = arith.constant 0 : index
    %get3A_1 = vector.load %arg1[%get3A, %get3A_0] : memref<2000x256xf32, #tpu.memory_space<vmem>>, vector<2000x256xf32>
    %get3A_2 = arith.constant 0 : index
    %get3A_3 = arith.constant 0 : index
    %get3A_4 = vector.load %arg2[%get3A_2, %get3A_3] : memref<256x256xf32, #tpu.memory_space<vmem>>, vector<256x256xf32>
    %dot_general3A = arith.constant dense<0.000000e+00> : vector<2000x256xf32>
    %dot_general3A_5 = tpu.matmul %get3A_1, %get3A_4, %dot_general3A {dimension_numbers = #tpu.dot_dimension_numbers<[1], [0], [0], [1], [0, 0, 1, 1], [], []>, transpose_lhs_hint = false} : vector<2000x256xf32>, vector<256x256xf32>, vector<2000x256xf32> -> vector<2000x256xf32>
    %swap3A = arith.constant 0 : index
    %swap3A_6 = arith.constant 0 : index
    %swap3A_7 = vector.load %arg3[%swap3A, %swap3A_6] : memref<2000x256xf32, #tpu.memory_space<vmem>>, vector<2000x256xf32>
    tpu.vector_store %arg3[%swap3A, %swap3A_6], %dot_general3A_5 {strides = array<i32>} : memref<2000x256xf32, #tpu.memory_space<vmem>>, vector<2000x256xf32>,
    return
  }
  func.func @transform_0(%arg0: i32) -> (i32, i32) {
    %c0_i32 = arith.constant 0 : i32
    %c0_i32_0 = arith.constant 0 : i32
    return %arg0, %c0_i32 : i32, i32
  }
  func.func @transform_1(%arg0: i32) -> (i32, i32) {
    %c0_i32 = arith.constant 0 : i32
    %c0_i32_0 = arith.constant 0 : i32
    %c0_i32_1 = arith.constant 0 : i32
    return %c0_i32, %c0_i32_0 : i32, i32
  }
  func.func @transform_2(%arg0: i32) -> (i32, i32) {
    %c0_i32 = arith.constant 0 : i32
    %c0_i32_0 = arith.constant 0 : i32
    return %arg0, %c0_i32 : i32, i32
  }
}

module attributes {stable_mosaic.version = 14 : i64} {
  func.func @body(%arg0: i32, %arg1: i32, %arg2: memref<2048x128xf32, #tpu.memory_space<vmem>>, %arg3: memref<2048x16xf32, #tpu.memory_space<vmem>>, %arg4: memref<2048x16xf32, #tpu.memory_space<vmem>>, %arg5: memref<2048x128xf32, #tpu.memory_space<vmem>>) attributes {dimension_semantics = [#tpu.dimension_semantics<arbitrary>, #tpu.dimension_semantics<arbitrary>], iteration_bounds = array<i64: 5, 2>, scalar_prefetch = 0 : i64, scratch_operands = 0 : i64, tpu.core_type = #tpu.core_type<tc>, window_params = [{transform_indices = @transform_0, window_bounds = array<i64: 2048, 128>}, {transform_indices = @transform_1, window_bounds = array<i64: 2048, 16>}, {transform_indices = @transform_2, window_bounds = array<i64: 2048, 16>}, {transform_indices = @transform_3, window_bounds = array<i64: 2048, 128>}]} {
    %get3A = arith.constant 0 : index
    %get3A_0 = arith.constant 0 : index
    %get3A_1 = vector.load %arg3[%get3A, %get3A_0] : memref<2048x16xf32, #tpu.memory_space<vmem>>, vector<2048x1xf32>
    %get3A_2 = arith.constant 0 : index
    %get3A_3 = arith.constant 0 : index
    %get3A_4 = vector.load %arg4[%get3A_2, %get3A_3] : memref<2048x16xf32, #tpu.memory_space<vmem>>, vector<2048x1xf32>
    %add3A = arith.addf %get3A_1, %get3A_4 : vector<2048x1xf32>
    %add3A_5 = arith.constant 1.000000e+00 : f32
    %add3A_6 = vector.broadcast %add3A_5 : f32 to vector<2048x1xf32>
    %add3A_7 = arith.addf %add3A, %add3A_6 : vector<2048x1xf32>
    %rsqrt3A = math.rsqrt %add3A_7 : vector<2048x1xf32>
    %get3A_8 = arith.constant 0 : index
    %get3A_9 = arith.constant 0 : index
    %get3A_10 = vector.load %arg2[%get3A_8, %get3A_9] : memref<2048x128xf32, #tpu.memory_space<vmem>>, vector<2048x128xf32>
    %mul3A = vector.broadcast %rsqrt3A : vector<2048x1xf32> to vector<2048x128xf32>
    %mul3A_11 = arith.mulf %get3A_10, %mul3A : vector<2048x128xf32>
    %swap3A = arith.constant 0 : index
    %swap3A_12 = arith.constant 0 : index
    %swap3A_13 = vector.load %arg5[%swap3A, %swap3A_12] : memref<2048x128xf32, #tpu.memory_space<vmem>>, vector<2048x128xf32>
    tpu.vector_store %arg5[%swap3A, %swap3A_12], %mul3A_11 {strides = array<i32>} : memref<2048x128xf32, #tpu.memory_space<vmem>>, vector<2048x128xf32>,
    return
  }
  func.func @transform_0(%arg0: i32, %arg1: i32) -> (i32, i32) {
    %c0_i32 = arith.constant 0 : i32
    return %arg0, %arg1 : i32, i32
  }
  func.func @transform_1(%arg0: i32, %arg1: i32) -> (i32, i32) {
    %c0_i32 = arith.constant 0 : i32
    %c0_i32_0 = arith.constant 0 : i32
    return %arg0, %c0_i32 : i32, i32
  }
  func.func @transform_2(%arg0: i32, %arg1: i32) -> (i32, i32) {
    %add3A = arith.constant 5 : i32
    %add3A_0 = arith.addi %add3A, %arg0 : i32
    %c0_i32 = arith.constant 0 : i32
    %c0_i32_1 = arith.constant 0 : i32
    return %add3A_0, %c0_i32 : i32, i32
  }
  func.func @transform_3(%arg0: i32, %arg1: i32) -> (i32, i32) {
    %mul3A = arith.constant 5 : i32
    %mul3A_0 = arith.muli %arg1, %mul3A : i32
    %add3A = arith.addi %mul3A_0, %arg0 : i32
    %c0_i32 = arith.constant 0 : i32
    %c0_i32_1 = arith.constant 0 : i32
    return %add3A, %c0_i32 : i32, i32
  }
}

module attributes {stable_mosaic.version = 14 : i64} {
  func.func @body(%arg0: i32, %arg1: memref<2048x128xf32, #tpu.memory_space<vmem>>, %arg2: memref<2048x128xf32, #tpu.memory_space<vmem>>, %arg3: memref<2048x16xf32, #tpu.memory_space<vmem>>, %arg4: memref<2048x16xf32, #tpu.memory_space<vmem>>, %arg5: memref<1x256xf32, #tpu.memory_space<vmem>>, %arg6: memref<2048x256xf32, #tpu.memory_space<vmem>>) attributes {dimension_semantics = [#tpu.dimension_semantics<arbitrary>], iteration_bounds = array<i64: 5>, scalar_prefetch = 0 : i64, scratch_operands = 0 : i64, tpu.core_type = #tpu.core_type<tc>, window_params = [{transform_indices = @transform_0, window_bounds = array<i64: 2048, 128>}, {transform_indices = @transform_1, window_bounds = array<i64: 2048, 128>}, {transform_indices = @transform_2, window_bounds = array<i64: 2048, 16>}, {transform_indices = @transform_3, window_bounds = array<i64: 2048, 16>}, {pipeline_mode = #tpu.pipeline_mode<synchronous>, transform_indices = @transform_4, window_bounds = array<i64: 1, 256>}, {transform_indices = @transform_5, window_bounds = array<i64: 2048, 256>}]} {
    %get3A = arith.constant 0 : index
    %get3A_0 = arith.constant 0 : index
    %get3A_1 = vector.load %arg3[%get3A, %get3A_0] : memref<2048x16xf32, #tpu.memory_space<vmem>>, vector<2048x1xf32>
    %get3A_2 = arith.constant 0 : index
    %get3A_3 = arith.constant 0 : index
    %get3A_4 = vector.load %arg4[%get3A_2, %get3A_3] : memref<2048x16xf32, #tpu.memory_space<vmem>>, vector<2048x1xf32>
    %add3A = arith.addf %get3A_1, %get3A_4 : vector<2048x1xf32>
    %add3A_5 = arith.constant 1.000000e+00 : f32
    %add3A_6 = vector.broadcast %add3A_5 : f32 to vector<2048x1xf32>
    %add3A_7 = arith.addf %add3A, %add3A_6 : vector<2048x1xf32>
    %rsqrt3A = math.rsqrt %add3A_7 : vector<2048x1xf32>
    %get3A_8 = arith.constant 0 : index
    %get3A_9 = arith.constant 0 : index
    %get3A_10 = vector.load %arg1[%get3A_8, %get3A_9] : memref<2048x128xf32, #tpu.memory_space<vmem>>, vector<2048x128xf32>
    %mul3A = vector.broadcast %rsqrt3A : vector<2048x1xf32> to vector<2048x128xf32>
    %mul3A_11 = arith.mulf %get3A_10, %mul3A : vector<2048x128xf32>
    %get3A_12 = arith.constant 0 : index
    %get3A_13 = arith.constant 0 : index
    %get3A_14 = vector.load %arg5[%get3A_12, %get3A_13] : memref<1x256xf32, #tpu.memory_space<vmem>>, vector<1x128xf32>
    %add3A_15 = vector.broadcast %get3A_14 : vector<1x128xf32> to vector<2048x128xf32>
    %add3A_16 = arith.addf %mul3A_11, %add3A_15 : vector<2048x128xf32>
    %swap3A = arith.constant 0 : index
    %swap3A_17 = arith.constant 0 : index
    %swap3A_18 = vector.load %arg6[%swap3A, %swap3A_17] : memref<2048x256xf32, #tpu.memory_space<vmem>>, vector<2048x128xf32>
    tpu.vector_store %arg6[%swap3A, %swap3A_17], %add3A_16 {strides = array<i32>} : memref<2048x256xf32, #tpu.memory_space<vmem>>, vector<2048x128xf32>,
    %get3A_19 = arith.constant 0 : index
    %get3A_20 = arith.constant 0 : index
    %get3A_21 = vector.load %arg2[%get3A_19, %get3A_20] : memref<2048x128xf32, #tpu.memory_space<vmem>>, vector<2048x128xf32>
    %mul3A_22 = vector.broadcast %rsqrt3A : vector<2048x1xf32> to vector<2048x128xf32>
    %mul3A_23 = arith.mulf %get3A_21, %mul3A_22 : vector<2048x128xf32>
    %get3A_24 = arith.constant 0 : index
    %get3A_25 = arith.constant 128 : index
    %get3A_26 = vector.load %arg5[%get3A_24, %get3A_25] : memref<1x256xf32, #tpu.memory_space<vmem>>, vector<1x128xf32>
    %add3A_27 = vector.broadcast %get3A_26 : vector<1x128xf32> to vector<2048x128xf32>
    %add3A_28 = arith.addf %mul3A_23, %add3A_27 : vector<2048x128xf32>
    %swap3A_29 = arith.constant 0 : index
    %swap3A_30 = arith.constant 128 : index
    %swap3A_31 = vector.load %arg6[%swap3A_29, %swap3A_30] : memref<2048x256xf32, #tpu.memory_space<vmem>>, vector<2048x128xf32>
    tpu.vector_store %arg6[%swap3A_29, %swap3A_30], %add3A_28 {strides = array<i32>} : memref<2048x256xf32, #tpu.memory_space<vmem>>, vector<2048x128xf32>,
    return
  }
  func.func @transform_0(%arg0: i32) -> (i32, i32) {
    %c0_i32 = arith.constant 0 : i32
    %c0_i32_0 = arith.constant 0 : i32
    return %arg0, %c0_i32 : i32, i32
  }
  func.func @transform_1(%arg0: i32) -> (i32, i32) {
    %add3A = arith.constant 5 : i32
    %add3A_0 = arith.addi %add3A, %arg0 : i32
    %c0_i32 = arith.constant 0 : i32
    %c0_i32_1 = arith.constant 0 : i32
    return %add3A_0, %c0_i32 : i32, i32
  }
  func.func @transform_2(%arg0: i32) -> (i32, i32) {
    %c0_i32 = arith.constant 0 : i32
    %c0_i32_0 = arith.constant 0 : i32
    return %arg0, %c0_i32 : i32, i32
  }
  func.func @transform_3(%arg0: i32) -> (i32, i32) {
    %add3A = arith.constant 5 : i32
    %add3A_0 = arith.addi %add3A, %arg0 : i32
    %c0_i32 = arith.constant 0 : i32
    %c0_i32_1 = arith.constant 0 : i32
    return %add3A_0, %c0_i32 : i32, i32
  }
  func.func @transform_4(%arg0: i32) -> (i32, i32) {
    %c0_i32 = arith.constant 0 : i32
    %c0_i32_0 = arith.constant 0 : i32
    %c0_i32_1 = arith.constant 0 : i32
    return %c0_i32, %c0_i32_0 : i32, i32
  }
  func.func @transform_5(%arg0: i32) -> (i32, i32) {
    %c0_i32 = arith.constant 0 : i32
    %c0_i32_0 = arith.constant 0 : i32
    return %arg0, %c0_i32 : i32, i32
  }
}

</mosaic_0001>

<sc_bundles>
// kernel: kernel.10.cloned.1.call-start
scs
__scs_entry_jumppad:
0x0: {  	(pc) =	sbr.rel $0x88, $3  }
0x1: {  	(tag) =	ssettag $0x0;
	lr =	simm.s32 $0x1  }
0x2: {  	[smem:$0x3F9D] =	sst lr;
	_ =	strace $0xD0000000  }
0x3: {  	_ = 	snop  }
0x4: {  	_ = 	snop  }
0x5: {  	_ = 	snop  }
0x6: {  	_ = 	snop  }
0x7: {  	_ = 	snop  }
__scs_overlays_trampoline_lowered:
0x8: {  	[smem:$0x3FAC] =	sst s0  }
0x9: {  	[smem:$0x3FAD] =	sst s1  }
0xa: {  	[smem:$0x3FAE] =	sst s2  }
0xb: {  	[smem:$0x3FAF] =	sst s3  }
0xc: {  	[smem:$0x3FB0] =	sst s4  }
0xd: {  	[smem:$0x3FB1] =	sst s5  }
0xe: {  	[smem:$0x3FB2] =	sst s6  }
0xf: {  	[smem:$0x3FB3] =	sst s7  }
0x10: {  	[smem:$0x3FB4] =	sst s8  }
0x11: {  	[smem:$0x3FB5] =	sst s9;
	s0 =	simm.s32 @!p0 $0x0  }
0x12: {  	s1 =	sld [smem:$0x3F9B];
	s0 =	simm.s32 @p0 $0x1  }
0x13: {  	[smem:$0x3FB6] =	sst s0;
	s0 =	simm.s32 @!p1 $0x0  }
0x14: {  	s2 =	sld [smem:$0x3F9A];
	s0 =	simm.s32 @p1 $0x1  }
0x15: {  	[smem:$0x3FB7] =	sst s0;
	s0 =	simm.s32 @!p2 $0x0  }
0x16: {  	s3 =	sld [smem:$0x3FDB];
	s0 =	simm.s32 @p2 $0x1  }
0x17: {  	s4 =	simm.s32 $0x1BF5;
	[smem:$0x3FB9] =	sst s0  }
0x18: {  	s0 =	sld [smem:$0x3F9C];
	_ =	swait.ge [sflag:s4], $0x0  }
0x19: {  	s7 =	sld [smem:$0x3F9D]  }
0x1a: {  	s8 =	sadd.s32 $0xFFFFE003, lr  }
0x1b: {  	s9 =	sadd.s32 $0xFFFFFEF7, lr;
	s5 =	simm.s32 $0xFFFFFFFF;
	p2 =	slt.u32 s8, $0xFFFFF086  }
0x1c: {  	p1 =	slt.u32 s9, $0xF7A;
	s5 =	simm.s32 @!p2 $0x0  }
0x1d: {  	s5 =	simm.s32 @p1 $0x1;
	p0 =	seq.s32 s7, s2  }
0x1e: {  	s7 =	smul.u32 @!p0 $0xF7A, s2;
	p2 =	seq.s32 @!p0 s5, $0x0  }
0x1f: {  	s9 =	smul.u32 $0xF7A, s1;
	s8 =	simm.s32 @!p0 $0x1BF5;
	p2 =	por !p2, p0  }
0x20: {  	[sflag:s8] =	ssyncset.s32 @!p0 $0xFFFFF086;
	s6 =	sadd.s32 @!p0 s3, s7;
	s7 =	simm.s32 @!p0 $0x108  }
0x21: {  	s3 =	sadd.s32 s3, s9;
	s6 =	sadd.s32 @!p0 $0x88, s6;
	s7 =	simm.s32 @p2 $0x1082  }
0x22: {  	[simem:s7], [sflag:s8] =	dma.local @!p0 [hbm:s6], $0xF7A  }
0x23: {  	s9 =	sor.u32 $0xD0000000, s2;
	s6 =	simm.s32 $0x108;
	_ =	swait.ge @!p0 [sflag:s8], $0x0  }
0x24: {  	s3 =	sadd.s32 $0x88, s3;
	s6 =	simm.s32 @!p1 $0x1082;
	[sflag:s4] =	ssyncset.s32 $0xFFFFF086  }
0x25: {  	[simem:s6], [sflag:s4] =	dma.local [hbm:s3], $0xF7A  }
0x26: {  	[smem:$0x3F9D] =	sst s1;
	(tag) =	ssettag s2;
	_ =	strace s9  }
0x27: {  	s1 =	sld [smem:$0x3FAD]  }
0x28: {  	s2 =	sld [smem:$0x3FAE]  }
0x29: {  	s4 =	sld [smem:$0x3FB0]  }
0x2a: {  	p0 =	seq.s32 s5, $0x0;
	s5 =	sld [smem:$0x3FB1]  }
0x2b: {  	s6 =	sld [smem:$0x3FB2]  }
0x2c: {  	s7 =	sld [smem:$0x3FB3]  }
0x2d: {  	s3 =	simm.s32 $0x108;
	s8 =	sld [smem:$0x3FB4]  }
0x2e: {  	s3 =	simm.s32 @!p0 $0x1082;
	s9 =	sld [smem:$0x3FB5]  }
0x2f: {  	lr =	sadd.s32 s0, s3;
	s0 =	sld [smem:$0x3FAC]  }
0x30: {  	s3 =	sld [smem:$0x3FAF]  }
0x31: {  	[smem:$0x3FB8] =	sst s10  }
0x32: {  	s10 =	sld [smem:$0x3FB6];
	_ =	sdelay $0x3  }
0x33: {  	p0 =	seq.s32 s10, $0x1;
	s10 =	sld [smem:$0x3FB8];
	_ =	sdelay $0x3  }
0x34: {  	[smem:$0x3FB8] =	sst s10  }
0x35: {  	s10 =	sld [smem:$0x3FB7];
	_ =	sdelay $0x3  }
0x36: {  	p1 =	seq.s32 s10, $0x1;
	s10 =	sld [smem:$0x3FB8];
	_ =	sdelay $0x3  }
0x37: {  	[smem:$0x3FB8] =	sst s10  }
0x38: {  	s10 =	sld [smem:$0x3FB9]  }
0x39: {  	_ = 	snop;
	(pc) =	sbr.ind lr, $3  }
0x3a: {  	_ = 	snop  }
0x3b: {  	_ = 	snop  }
0x3c: {  	p2 =	seq.s32 s10, $0x1;
	s10 =	sld [smem:$0x3FB8]  }
0x3d: {  	_ =	shalt  }
0x3e: {  	_ =	shalt  }
0x3f: {  	_ =	shalt  }
0x40: {  	_ =	shalt  }
0x41: {  	_ =	shalt  }
0x42: {  	_ =	shalt  }
0x43: {  	_ =	shalt  }
0x44: {  	_ =	shalt  }
0x45: {  	_ =	shalt  }
0x46: {  	_ =	shalt  }
0x47: {  	_ =	shalt  }
0x48: {  	_ =	shalt  }
0x49: {  	_ =	shalt  }
0x4a: {  	_ =	shalt  }
0x4b: {  	_ =	shalt  }
0x4c: {  	_ =	shalt  }
0x4d: {  	_ =	shalt  }
0x4e: {  	_ =	shalt  }
0x4f: {  	_ =	shalt  }
0x50: {  	_ =	shalt  }
0x51: {  	_ =	shalt  }
0x52: {  	_ =	shalt  }
0x53: {  	_ =	shalt  }
0x54: {  	_ =	shalt  }
0x55: {  	_ =	shalt  }
0x56: {  	_ =	shalt  }
0x57: {  	_ =	shalt  }
0x58: {  	_ =	shalt  }
0x59: {  	_ =	shalt  }
0x5a: {  	_ =	shalt  }
0x5b: {  	_ =	shalt  }
0x5c: {  	_ =	shalt  }
0x5d: {  	_ =	shalt  }
0x5e: {  	_ =	shalt  }
0x5f: {  	_ =	shalt  }
0x60: {  	_ =	shalt  }
0x61: {  	_ =	shalt  }
0x62: {  	_ =	shalt  }
0x63: {  	_ =	shalt  }
0x64: {  	_ =	shalt  }
0x65: {  	_ =	shalt  }
0x66: {  	_ =	shalt  }
0x67: {  	_ =	shalt  }
0x68: {  	_ =	shalt  }
0x69: {  	_ =	shalt  }
0x6a: {  	_ =	shalt  }
0x6b: {  	_ =	shalt  }
0x6c: {  	_ =	shalt  }
0x6d: {  	_ =	shalt  }
0x6e: {  	_ =	shalt  }
0x6f: {  	_ =	shalt  }
0x70: {  	_ =	shalt  }
0x71: {  	_ =	shalt  }
0x72: {  	_ =	shalt  }
0x73: {  	_ =	shalt  }
0x74: {  	_ =	shalt  }
0x75: {  	_ =	shalt  }
0x76: {  	_ =	shalt  }
0x77: {  	_ =	shalt  }
0x78: {  	_ =	shalt  }
0x79: {  	_ =	shalt  }
0x7a: {  	_ =	shalt  }
0x7b: {  	_ =	shalt  }
0x7c: {  	_ =	shalt  }
0x7d: {  	_ =	shalt  }
0x7e: {  	_ =	shalt  }
0x7f: {  	_ =	shalt  }
0x80: {  	_ =	shalt  }
0x81: {  	_ =	shalt  }
0x82: {  	_ =	shalt  }
0x83: {  	_ =	shalt  }
0x84: {  	_ =	shalt  }
0x85: {  	_ =	shalt  }
0x86: {  	_ =	shalt  }
0x87: {  	_ =	shalt  }
.Lfunc_end0:
.L_simem_size_0:
called_computation.1_lowered:
.L_overlay_start_0:
0x88: {  	s2 =	sld [smem:$0x3FD9]  }
0x89: {  	s3 =	sld [smem:$0x3FFE];
	_ =	sdelay $0x1  }
0x8a: {  	s1 =	srdreg.scid  }
0x8b: {  	s0 =	sand.u32 $0x1, s1  }
0x8c: {  	s17 =	sshll.u32 s0, $0xA;
	s2 =	sadd.s32 s3, s2  }
0x8d: {  	s2 =	sadd.s32 s2, s17  }
0x8e: {  	[smem:$0x3FC4] =	sst s2  }
0x8f: {  	_ = 	snop  }
0x90: {  	s2 =	sld [smem:$0x3FD0];
	(tm) =	ssettm $0x1  }
0x91: {  	s18 =	sld [smem:$0x3FFB];
	_ =	sdelay $0x3  }
0x92: {  	_ =	strace s18  }
0x93: {  	s3 =	sld [smem:$0x3FFC];
	_ =	sdelay $0x3  }
0x94: {  	_ =	strace s3  }
0x95: {  	s3 =	sld [smem:$0x3FFD];
	_ =	sdelay $0x3  }
0x96: {  	_ =	strace s3  }
0x97: {  	_ =	strace $0x8FFFFFFF  }
0x98: {  	s19 =	sld [smem:$0x3FDB];
	_ =	sdelay $0x1  }
0x99: {  	s4 =	simm.s32 $_scs_section_size  }
0x9a: {  	s5 =	simm.s32 $_size__tile_overlayer_lowered;
	s6 =	simm.s32 $_tile_overlayer_lowered  }
0x9b: {  	s22 =	simm.s32 $0x1BFF;
	s21 =	sshll.u32 s6, $0x1;
	s3 =	sadd.s32 s4, s19  }
0x9c: {  	s7 =	simm.s32 $0x0;
	s20 =	sshll.u32 s5, $0x1;
	s5 =	sadd.s32 s21, s3  }
0x9d: {  	[timem:s7], [sflag:s22] =	dma.local [hbm:s5], s20  }
0x9e: {  	_ =	swait.ge [sflag:s22], s20  }
0x9f: {  	s4 =	ssub.s32 $0x0, s20;
	[sflag:s22] =	ssyncset.done $0x0  }
0xa0: {  	[sflag:s22] =	ssyncadd.s32 s4;
	_ =	sdelay $0x1  }
0xa1: {  	s23 =	simm.s32 $0x1B8B  }
0xa2: {  	_ =	swait.ge [sflag:s23], $0x1  }
0xa3: {  	[sflag:s23] =	ssyncset.done $0x0  }
0xa4: {  	s25 =	simm.s32 $0x1B8E;
	s24 =	sld [smem:$0x3FFE];
	[sflag:s23] =	ssyncadd.s32 $0xFFFFFFFF  }
0xa5: {  	s26 =	simm.s32 $execute0_lowered;
	[smem:$0x3FD2] =	sst s25  }
0xa6: {  	s5 =	sshll.u32 s26, $0x1;
	_ =	strace $0x80000049;
	[dreg:$0x1] =	wrdreg $0xFFFFFFFF  }
0xa7: {  	s28 =	simm.s32 $_size_execute0_lowered;
	s3 =	sadd.s32 s3, s5;
	[dreg:$0x0] =	wrdreg $0x0  }
0xa8: {  	s5 =	sshll.u32 s28, $0x1;
	[dreg:$0x2] =	wrdreg s3  }
0xa9: {  	[dreg:$0x3] =	wrdreg s5  }
0xaa: {  	[dreg:$0x4] =	wrdreg $0xC0  }
0xab: {  	_ =	task [dreg:s7], $0x5FFFF  }
0xac: {  	[dreg:$0x1] =	wrdreg $0xFFFFFFFF  }
0xad: {  	[dreg:$0x0] =	wrdreg $0x60  }
0xae: {  	[dreg:$0x2] =	wrdreg s24  }
0xaf: {  	[dreg:$0x3] =	wrdreg s2  }
0xb0: {  	[dreg:$0x4] =	wrdreg $0xA8000  }
0xb1: {  	[dreg:$0x5] =	wrdreg $0x9  }
0xb2: {  	_ =	task.clear_ibuf [dreg:s7], $0x6FFFF;
	_ =	strace $0x90000049  }
0xb3: {  	s29 =	simm.s32 $0x9;
	_ =	strace $0x8000004B  }
0xb4: {  	_ =	swait.ge [sflag:s29], $0x1  }
0xb5: {  	[sflag:s29] =	ssyncadd.s32 $0xFFFFFFFF  }
0xb6: {  	_ =	strace $0x9000004B  }
0xb7: {  	_ =	sfence  }
0xb8: {  	s30 =	sld [smem:$0x0];
	_ =	sdelay $0x2  }
0xb9: {  	s31 =	sshll.u32 s1, $0xD;
	s1 =	sshrl.u32 s1, $0x2  }
0xba: {  	s3 =	sand.u32 $0x4000, s31;
	s1 =	sadd.s32 s1, s30  }
0xbb: {  	s0 =	sor.u32 s3, s0;
	s1 =	sshll.u32 s1, $0x11  }
0xbc: {  	s0 =	sor.u32 s1, s0  }
0xbd: {  	s0 =	sadd.s32 $0x8F2B, s0  }
0xbe: {  	[sflag:s0] =	ssyncadd.remote.s32 $0x1  }
0xbf: {  	_ =	sfence.sel $0xFFFF  }
0xc0: {  	[dreg:$0x0] =	wrdreg $0xFFFFFFFF;
	(pc) =	sbr.abs _section_cstart, $3  }
0xc1: {  	[dreg:$0x1] =	wrdreg $0xFFFFFFFF  }
0xc2: {  	_ =	task.clear_ibuf [dreg:s7], $0x2FFFF;
	_ =	strace $0x9FFFFFFF  }
0xc3: {  	(tm) =	ssettm $0x7FFFFFFF  }
tec
execute0_lowered:
.L_overlay_start_1:
0x0: {  	(tag) =	ssettag $0x1  }
0x1: {  	s0 =	rddreg [dreg:$0x0]  }
0x2: {  	s2 =	rddreg [dreg:$0x1]  }
0x3: {  	s1 =	rddreg [dreg:$0x2]  }
0x4: {  	s3 =	srdreg.scid;
	s14 =	stileid.u32  }
0x5: {  	s15 =	simm.s32 $0x1400;
	s28 =	simm.s32 $0x13C0;
	s7 =	smul.u32 $0x280, s14  }
0x6: {  	s29 =	simm.s32 $0x2700;
	s30 =	simm.s32 $0x2780;
	s16 =	smul.u32 $0x50000, s14  }
0x7: {  	s31 =	simm.s32 $0x0;
	s5 =	sand.u32 $0x1, s3;
	s20 =	smul.u32 $0x2800, s14  }
0x8: {  	s3 =	simm.s32 $0x0;
	s4 =	sadd.s32 $0x57000, s0;
	s21 =	smul.u32 $0x500, s14  }
0x9: {  	s10 =	sadd.s32 $0x2000, s0;
	s19 =	sshll.u32 s14, $0x6;
	s6 =	smul.u32 $0x2800, s5  }
0xa: {  	[smem:$0x7FF] =	sst s3;
	s8 =	sshll.u32 s5, $0x4;
	s5 =	ssub.s32 $0x2, s5  }
0xb: {  	_ =	strace $0x8000004A;
	s8 =	sor.u32 s14, s8;
	s9 =	sshrl.u32 s5, $0x1  }
0xc: {  	s24 =	sshrl.u32 s20, $0x3;
	s25 =	sadd.s32 s10, s21;
	s14 =	simm.s32 $0x5  }
0xd: {  	s20 =	simm.s32 $0x8800;
	s21 =	simm.s32 $0x1;
	s6 =	sadd.s32 s7, s6  }
0xe: {  	s7 =	sshrl.u32 s16, $0x2;
	s11 =	smul.u32 $0x500, s8;
	s12 =	ssub.s32 s5, s9  }
0xf: {  	s17 =	smul.u32 $0x2800, s8;
	[dreg:$0x6] =	wrdreg s25;
	s26 =	sadd.s32 s10, s24  }
0x10: {  	s16 =	simm.s32 $0x40;
	s24 =	simm.s32 $0x3;
	s25 =	simm.s32 $0x4  }
0x11: {  	s6 =	sshll.u32 s6, $0x4;
	s13 =	sadd.s32 s7, s1;
	s10 =	sadd.s32 $0x280, s26  }
0x12: {  	s12 =	smax.u32 s12, $0x1;
	s26 =	simm.s32 $0x1380;
	s0 =	sadd.s32 s6, s0  }
0x13: {  	s18 =	sadd.s32 s4, s6;
	s6 =	sor.u32 $0x1C05, s19;
	s22 =	sshrl.u32 s17, $0x3  }
0x14: {  	s23 =	sadd.s32 s2, s11;
	s13 =	sshrl.u32 s13, $0x3;
	[dreg:$0x4] =	wrdreg s18  }
0x15: {  	s17 =	simm.s32 $0x2800;
	s19 =	simm.s32 $0x6800;
	[dreg:$0x5] =	wrdreg s23  }
0x16: {  	s2 =	sadd.s32 s2, s22;
	s11 =	sadd.s32 $0xA7000, s0;
	s18 =	simm.s32 $0x4800  }
0x17: {  	s22 =	simm.s32 $0x2;
	s23 =	simm.s32 $0x80;
	s9 =	sadd.s32 $0x280, s2  }
.LBB2_1:
0x18: {  	s0 =	rddreg [dreg:$0x4]  }
0x19: {  	[spmem:s13], [sflag:s6] =	dma.local [hbm:s0], $0x2800  }
0x1a: {  	_ =	swait.ge [sflag:s14], $0x2800  }
0x1b: {  	[sflag:s14] =	ssyncset.done $0x0  }
0x1c: {  	[sflag:s14] =	ssyncadd.s32 $0xFFFFD800  }
0x1d: {  	[bflag:$0x0] =	sbarrier.arrive $0xFFFF  }
0x1e: {  	s2 =	rddreg [dreg:$0x5]  }
0x1f: {  	[tilespmem:s3], [sflag:$0x5] =	stream.linear.gather [hbm4b:s2+s3], $0x1400, $0x38;
	[tilespmem:$0x1E800] =	vst v63  }
0x20: {  	_ =	swait.ge [sflag:s14], $0x1400  }
0x21: {  	[sflag:s14] =	ssyncset.done $0x0  }
0x22: {  	s5 =	rddreg [dreg:$0x6];
	[sflag:s14] =	ssyncadd.s32 $0xFFFFEC00  }
0x23: {  	[tilespmem:s15], [sflag:$0x5] =	stream.linear.gather [hbm4b:s5+s3], $0x1400, $0x38;
	[tilespmem:$0x1E800] =	vst v63  }
0x24: {  	_ =	swait.ge [sflag:s14], $0x1400  }
0x25: {  	[sflag:s14] =	ssyncset.done $0x0  }
0x26: {  	[sflag:s14] =	ssyncadd.s32 $0xFFFFEC00  }
0x27: {  	[tilespmem:s17], [sflag:$0x1] =	stream.indirect.gather [hbm4b:s4+s16], $0x80, s3, s16, $0xb8;
	[tilespmem:$0x1E800] =	vst v63  }
0x28: {  	_ = 	snop  }
0x29: {  	[tilespmem:s18], [sflag:$0x2] =	stream.indirect.gather [hbm4b:s4+s16], $0x80, s16, s16, $0xb8;
	[tilespmem:$0x1E800] =	vst v63  }
0x2a: {  	s7 =	simm.s32 $0x80  }
0x2b: {  	[tilespmem:s19], [sflag:$0x3] =	stream.indirect.gather [hbm4b:s4+s16], $0x80, s7, s16, $0xb8;
	[tilespmem:$0x1E800] =	vst v63  }
0x2c: {  	s8 =	simm.s32 $0xC0  }
0x2d: {  	[tilespmem:s20], [sflag:$0x4] =	stream.indirect.gather [hbm4b:s4+s16], $0x80, s8, s16, $0xb8;
	[tilespmem:$0x1E800] =	vst v63  }
0x2e: {  	_ =	swait.ge [sflag:s21], $0x2000  }
0x2f: {  	[sflag:s21] =	ssyncset.done $0x0  }
0x30: {  	[sflag:s21] =	ssyncadd.s32 $0xFFFFE000  }
0x31: {  	_ =	swait.ge [sflag:s22], $0x2000  }
0x32: {  	[sflag:s22] =	ssyncset.done $0x0  }
0x33: {  	s2 =	simm.s32 $0x1400;
	[sflag:s22] =	ssyncadd.s32 $0xFFFFE000  }
0x34: {  	[spmem:s1] =	stream.indirect.scatter.add.f32 [tilespmem:s17], [sflag:$0x5], $0x80, s2, s23, $0xb8;
	[tilespmem:$0x1E800] =	vst v63  }
0x35: {  	_ =	swait.ge [sflag:s14], $0x4000  }
0x36: {  	[sflag:s14] =	ssyncset.done $0x0  }
0x37: {  	s5 =	simm.s32 $0x100;
	[sflag:s14] =	ssyncadd.s32 $0xFFFFC000  }
0x38: {  	[tilespmem:s17], [sflag:$0x1] =	stream.indirect.gather [hbm4b:s4+s16], $0x80, s5, s16, $0xb8;
	[tilespmem:$0x1E800] =	vst v63  }
0x39: {  	s7 =	simm.s32 $0x140  }
0x3a: {  	[tilespmem:s18], [sflag:$0x2] =	stream.indirect.gather [hbm4b:s4+s16], $0x80, s7, s16, $0xb8;
	[tilespmem:$0x1E800] =	vst v63  }
0x3b: {  	_ =	swait.ge [sflag:s24], $0x2000  }
0x3c: {  	[sflag:s24] =	ssyncset.done $0x0  }
0x3d: {  	[sflag:s24] =	ssyncadd.s32 $0xFFFFE000  }
0x3e: {  	_ =	swait.ge [sflag:s25], $0x2000  }
0x3f: {  	[sflag:s25] =	ssyncset.done $0x0  }
0x40: {  	s8 =	simm.s32 $0x1480;
	[sflag:s25] =	ssyncadd.s32 $0xFFFFE000  }
0x41: {  	[spmem:s1] =	stream.indirect.scatter.add.f32 [tilespmem:s19], [sflag:$0x5], $0x80, s8, s23, $0xb8;
	[tilespmem:$0x1E800] =	vst v63  }
0x42: {  	_ =	swait.ge [sflag:s14], $0x4000  }
0x43: {  	s0 =	simm.s32 $0x100;
	s2 =	simm.s32 $0x800;
	[sflag:s14] =	ssyncset.done $0x0  }
.LBB2_2:
0x44: {  	s5 =	sadd.s32 $0x80, s0  }
0x45: {  	[sflag:s14] =	ssyncadd.s32 $0xFFFFC000;
	s7 =	smov.u32 s2;
	s8 =	sadd.s32 $0x400, s2  }
0x46: {  	[tilespmem:s19], [sflag:$0x3] =	stream.indirect.gather [hbm4b:s4+s16], $0x80, s5, s16, $0xb8;
	[tilespmem:$0x1E800] =	vst v63  }
0x47: {  	p0 =	sne.s32 s2, $0x4800;
	s2 =	sadd.s32 $0xC0, s0  }
0x48: {  	[tilespmem:s20], [sflag:$0x4] =	stream.indirect.gather [hbm4b:s4+s16], $0x80, s2, s16, $0xb8;
	[tilespmem:$0x1E800] =	vst v63  }
0x49: {  	_ =	swait.ge [sflag:s21], $0x2000  }
0x4a: {  	[sflag:s21] =	ssyncset.done $0x0  }
0x4b: {  	[sflag:s21] =	ssyncadd.s32 $0xFFFFE000  }
0x4c: {  	_ =	swait.ge [sflag:s22], $0x2000  }
0x4d: {  	[sflag:s22] =	ssyncset.done $0x0  }
0x4e: {  	s2 =	sadd.s32 $0x1400, s0;
	[sflag:s22] =	ssyncadd.s32 $0xFFFFE000  }
0x4f: {  	[spmem:s1] =	stream.indirect.scatter.add.f32 [tilespmem:s17], [sflag:$0x5], $0x80, s2, s23, $0xb8;
	[tilespmem:$0x1E800] =	vst v63  }
0x50: {  	_ =	swait.ge [sflag:s14], $0x4000  }
0x51: {  	[sflag:s14] =	ssyncset.done $0x0  }
0x52: {  	s2 =	sadd.s32 $0x100, s0;
	[sflag:s14] =	ssyncadd.s32 $0xFFFFC000  }
0x53: {  	[tilespmem:s17], [sflag:$0x1] =	stream.indirect.gather [hbm4b:s4+s16], $0x80, s2, s16, $0xb8;
	[tilespmem:$0x1E800] =	vst v63  }
0x54: {  	s2 =	sadd.s32 $0x140, s0  }
0x55: {  	[tilespmem:s18], [sflag:$0x2] =	stream.indirect.gather [hbm4b:s4+s16], $0x80, s2, s16, $0xb8;
	[tilespmem:$0x1E800] =	vst v63  }
0x56: {  	_ =	swait.ge [sflag:s24], $0x2000  }
0x57: {  	[sflag:s24] =	ssyncset.done $0x0  }
0x58: {  	[sflag:s24] =	ssyncadd.s32 $0xFFFFE000  }
0x59: {  	_ =	swait.ge [sflag:s25], $0x2000  }
.Ltmp0:
0x5a: {  	[sflag:s25] =	ssyncset.done $0x0;
	(pc) =	sbr.rel @p0 .LBB2_2-.Ltmp0, $4  }
0x5b: {  	s0 =	sadd.s32 $0x1480, s0;
	[sflag:s25] =	ssyncadd.s32 $0xFFFFE000  }
0x5c: {  	[spmem:s1] =	stream.indirect.scatter.add.f32 [tilespmem:s19], [sflag:$0x5], $0x80, s0, s23, $0xb8;
	[tilespmem:$0x1E800] =	vst v63  }
0x5d: {  	_ =	swait.ge [sflag:s14], $0x4000  }
0x5e: {  	s2 =	smov.u32 s8;
	s0 =	sshra.s32 s7, $0x2;
	[sflag:s14] =	ssyncset.done $0x0  }
0x5f: {  	s2 =	sadd.s32 $0x80, s0;
	[sflag:s14] =	ssyncadd.s32 $0xFFFFC000  }
0x60: {  	[tilespmem:s19], [sflag:$0x3] =	stream.indirect.gather [hbm4b:s4+s16], $0x80, s2, s16, $0xb8;
	[tilespmem:$0x1E800] =	vst v63  }
0x61: {  	s8 =	sadd.s32 $0xC0, s0  }
0x62: {  	[tilespmem:s20], [sflag:$0x4] =	stream.indirect.gather [hbm4b:s4+s16], $0x80, s8, s16, $0xb8;
	[tilespmem:$0x1E800] =	vst v63  }
0x63: {  	_ =	swait.ge [sflag:s21], $0x2000  }
0x64: {  	[sflag:s21] =	ssyncset.done $0x0  }
0x65: {  	[sflag:s21] =	ssyncadd.s32 $0xFFFFE000  }
0x66: {  	_ =	swait.ge [sflag:s22], $0x2000  }
0x67: {  	[sflag:s22] =	ssyncset.done $0x0  }
0x68: {  	s5 =	sadd.s32 $0x1400, s0;
	[sflag:s22] =	ssyncadd.s32 $0xFFFFE000  }
0x69: {  	[spmem:s1] =	stream.indirect.scatter.add.f32 [tilespmem:s17], [sflag:$0x5], $0x80, s5, s23, $0xb8;
	[tilespmem:$0x1E800] =	vst v63  }
0x6a: {  	_ =	swait.ge [sflag:s14], $0x4000  }
0x6b: {  	[sflag:s14] =	ssyncset.done $0x0  }
0x6c: {  	s7 =	sadd.s32 $0x100, s0;
	[sflag:s14] =	ssyncadd.s32 $0xFFFFC000  }
0x6d: {  	[tilespmem:s17], [sflag:$0x1] =	stream.indirect.gather [hbm4b:s4+s16], $0x80, s7, s16, $0xb8;
	[tilespmem:$0x1E800] =	vst v63  }
0x6e: {  	s8 =	sadd.s32 $0x140, s0  }
0x6f: {  	[tilespmem:s18], [sflag:$0x2] =	stream.indirect.gather [hbm4b:s4+s16], $0x80, s8, s16, $0xb8;
	[tilespmem:$0x1E800] =	vst v63  }
0x70: {  	_ =	swait.ge [sflag:s24], $0x2000  }
0x71: {  	[sflag:s24] =	ssyncset.done $0x0  }
0x72: {  	[sflag:s24] =	ssyncadd.s32 $0xFFFFE000  }
0x73: {  	_ =	swait.ge [sflag:s25], $0x2000  }
0x74: {  	[sflag:s25] =	ssyncset.done $0x0  }
0x75: {  	s2 =	sadd.s32 $0x1480, s0;
	[sflag:s25] =	ssyncadd.s32 $0xFFFFE000  }
0x76: {  	[spmem:s1] =	stream.indirect.scatter.add.f32 [tilespmem:s19], [sflag:$0x5], $0x80, s2, s23, $0xb8;
	[tilespmem:$0x1E800] =	vst v63  }
0x77: {  	_ =	swait.ge [sflag:s14], $0x4000  }
0x78: {  	[sflag:s14] =	ssyncset.done $0x0  }
0x79: {  	[sflag:s14] =	ssyncadd.s32 $0xFFFFC000  }
0x7a: {  	[tilespmem:s19], [sflag:$0x3] =	stream.indirect.gather [hbm4b:s4+s16], $0x80, s26, s16, $0xb8;
	[tilespmem:$0x1E800] =	vst v63  }
0x7b: {  	_ = 	snop  }
0x7c: {  	[tilespmem:s20], [sflag:$0x4] =	stream.indirect.gather [hbm4b:s4+s16], $0x80, s28, s16, $0xb8;
	[tilespmem:$0x1E800] =	vst v63  }
0x7d: {  	_ =	swait.ge [sflag:s21], $0x2000  }
0x7e: {  	[sflag:s21] =	ssyncset.done $0x0  }
0x7f: {  	[sflag:s21] =	ssyncadd.s32 $0xFFFFE000  }
0x80: {  	_ =	swait.ge [sflag:s22], $0x2000  }
0x81: {  	[sflag:s22] =	ssyncset.done $0x0  }
0x82: {  	[sflag:s22] =	ssyncadd.s32 $0xFFFFE000  }
0x83: {  	[spmem:s1] =	stream.indirect.scatter.add.f32 [tilespmem:s17], [sflag:$0x5], $0x80, s29, s23, $0xb8;
	[tilespmem:$0x1E800] =	vst v63  }
0x84: {  	_ =	swait.ge [sflag:s14], $0x4000  }
0x85: {  	[sflag:s14] =	ssyncset.done $0x0  }
0x86: {  	[sflag:s14] =	ssyncadd.s32 $0xFFFFC000  }
0x87: {  	_ =	swait.ge [sflag:s24], $0x2000  }
0x88: {  	[sflag:s24] =	ssyncset.done $0x0  }
0x89: {  	[sflag:s24] =	ssyncadd.s32 $0xFFFFE000  }
0x8a: {  	_ =	swait.ge [sflag:s25], $0x2000  }
0x8b: {  	[sflag:s25] =	ssyncset.done $0x0  }
0x8c: {  	[sflag:s25] =	ssyncadd.s32 $0xFFFFE000  }
0x8d: {  	[spmem:s1] =	stream.indirect.scatter.add.f32 [tilespmem:s19], [sflag:$0x5], $0x80, s30, s23, $0xb8;
	[tilespmem:$0x1E800] =	vst v63  }
0x8e: {  	_ =	swait.ge [sflag:s14], $0x4000  }
0x8f: {  	[sflag:s14] =	ssyncset.done $0x0  }
0x90: {  	s5 =	simm.s32 $0x0;
	[sflag:s14] =	ssyncadd.s32 $0xFFFFC000  }
0x91: {  	[tilespmem:s5], [sflag:$0x5] =	stream.linear.gather [hbm4b:s9+s5], $0x1400, $0x38;
	[tilespmem:$0x1E800] =	vst v63  }
0x92: {  	_ =	swait.ge [sflag:s14], $0x1400  }
0x93: {  	[sflag:s14] =	ssyncset.done $0x0  }
0x94: {  	[sflag:s14] =	ssyncadd.s32 $0xFFFFEC00  }
0x95: {  	[tilespmem:s15], [sflag:$0x5] =	stream.linear.gather [hbm4b:s10+s5], $0x1400, $0x38;
	[tilespmem:$0x1E800] =	vst v63  }
0x96: {  	_ =	swait.ge [sflag:s14], $0x1400  }
0x97: {  	[sflag:s14] =	ssyncset.done $0x0  }
0x98: {  	[sflag:s14] =	ssyncadd.s32 $0xFFFFEC00  }
0x99: {  	[tilespmem:s17], [sflag:$0x1] =	stream.indirect.gather [hbm4b:s4+s16], $0x80, s5, s16, $0xb8;
	[tilespmem:$0x1E800] =	vst v63  }
0x9a: {  	_ = 	snop  }
0x9b: {  	[tilespmem:s18], [sflag:$0x2] =	stream.indirect.gather [hbm4b:s4+s16], $0x80, s16, s16, $0xb8;
	[tilespmem:$0x1E800] =	vst v63  }
0x9c: {  	s7 =	simm.s32 $0x80  }
0x9d: {  	[tilespmem:s19], [sflag:$0x3] =	stream.indirect.gather [hbm4b:s4+s16], $0x80, s7, s16, $0xb8;
	[tilespmem:$0x1E800] =	vst v63  }
0x9e: {  	s8 =	simm.s32 $0xC0  }
0x9f: {  	[tilespmem:s20], [sflag:$0x4] =	stream.indirect.gather [hbm4b:s4+s16], $0x80, s8, s16, $0xb8;
	[tilespmem:$0x1E800] =	vst v63  }
0xa0: {  	_ =	swait.ge [sflag:s21], $0x2000  }
0xa1: {  	[sflag:s21] =	ssyncset.done $0x0  }
0xa2: {  	[sflag:s21] =	ssyncadd.s32 $0xFFFFE000  }
0xa3: {  	_ =	swait.ge [sflag:s22], $0x2000  }
0xa4: {  	[sflag:s22] =	ssyncset.done $0x0  }
0xa5: {  	s2 =	simm.s32 $0x1400;
	[sflag:s22] =	ssyncadd.s32 $0xFFFFE000  }
0xa6: {  	[spmem:s1] =	stream.indirect.scatter.add.f32 [tilespmem:s17], [sflag:$0x5], $0x80, s2, s23, $0xb8;
	[tilespmem:$0x1E800] =	vst v63  }
0xa7: {  	_ =	swait.ge [sflag:s14], $0x4000  }
0xa8: {  	[sflag:s14] =	ssyncset.done $0x0  }
0xa9: {  	s5 =	simm.s32 $0x100;
	[sflag:s14] =	ssyncadd.s32 $0xFFFFC000  }
0xaa: {  	[tilespmem:s17], [sflag:$0x1] =	stream.indirect.gather [hbm4b:s4+s16], $0x80, s5, s16, $0xb8;
	[tilespmem:$0x1E800] =	vst v63  }
0xab: {  	s7 =	simm.s32 $0x140  }
0xac: {  	[tilespmem:s18], [sflag:$0x2] =	stream.indirect.gather [hbm4b:s4+s16], $0x80, s7, s16, $0xb8;
	[tilespmem:$0x1E800] =	vst v63  }
0xad: {  	_ =	swait.ge [sflag:s24], $0x2000  }
0xae: {  	[sflag:s24] =	ssyncset.done $0x0  }
0xaf: {  	[sflag:s24] =	ssyncadd.s32 $0xFFFFE000  }
0xb0: {  	_ =	swait.ge [sflag:s25], $0x2000  }
0xb1: {  	[sflag:s25] =	ssyncset.done $0x0  }
0xb2: {  	s8 =	simm.s32 $0x1480;
	[sflag:s25] =	ssyncadd.s32 $0xFFFFE000  }
0xb3: {  	[spmem:s1] =	stream.indirect.scatter.add.f32 [tilespmem:s19], [sflag:$0x5], $0x80, s8, s23, $0xb8;
	[tilespmem:$0x1E800] =	vst v63  }
0xb4: {  	_ =	swait.ge [sflag:s14], $0x4000  }
0xb5: {  	s0 =	simm.s32 $0x100;
	s2 =	simm.s32 $0x800;
	[sflag:s14] =	ssyncset.done $0x0  }
.LBB2_4:
0xb6: {  	s5 =	sadd.s32 $0x80, s0  }
0xb7: {  	[sflag:s14] =	ssyncadd.s32 $0xFFFFC000;
	s7 =	smov.u32 s2;
	s8 =	sadd.s32 $0x400, s2  }
0xb8: {  	[tilespmem:s19], [sflag:$0x3] =	stream.indirect.gather [hbm4b:s4+s16], $0x80, s5, s16, $0xb8;
	[tilespmem:$0x1E800] =	vst v63  }
0xb9: {  	p0 =	sne.s32 s2, $0x4800;
	s2 =	sadd.s32 $0xC0, s0  }
0xba: {  	[tilespmem:s20], [sflag:$0x4] =	stream.indirect.gather [hbm4b:s4+s16], $0x80, s2, s16, $0xb8;
	[tilespmem:$0x1E800] =	vst v63  }
0xbb: {  	_ =	swait.ge [sflag:s21], $0x2000  }
0xbc: {  	[sflag:s21] =	ssyncset.done $0x0  }
0xbd: {  	[sflag:s21] =	ssyncadd.s32 $0xFFFFE000  }
0xbe: {  	_ =	swait.ge [sflag:s22], $0x2000  }
0xbf: {  	[sflag:s22] =	ssyncset.done $0x0  }
0xc0: {  	s2 =	sadd.s32 $0x1400, s0;
	[sflag:s22] =	ssyncadd.s32 $0xFFFFE000  }
0xc1: {  	[spmem:s1] =	stream.indirect.scatter.add.f32 [tilespmem:s17], [sflag:$0x5], $0x80, s2, s23, $0xb8;
	[tilespmem:$0x1E800] =	vst v63  }
0xc2: {  	_ =	swait.ge [sflag:s14], $0x4000  }
0xc3: {  	[sflag:s14] =	ssyncset.done $0x0  }
0xc4: {  	s2 =	sadd.s32 $0x100, s0;
	[sflag:s14] =	ssyncadd.s32 $0xFFFFC000  }
0xc5: {  	[tilespmem:s17], [sflag:$0x1] =	stream.indirect.gather [hbm4b:s4+s16], $0x80, s2, s16, $0xb8;
	[tilespmem:$0x1E800] =	vst v63  }
0xc6: {  	s2 =	sadd.s32 $0x140, s0  }
0xc7: {  	[tilespmem:s18], [sflag:$0x2] =	stream.indirect.gather [hbm4b:s4+s16], $0x80, s2, s16, $0xb8;
	[tilespmem:$0x1E800] =	vst v63  }
0xc8: {  	_ =	swait.ge [sflag:s24], $0x2000  }
0xc9: {  	[sflag:s24] =	ssyncset.done $0x0  }
0xca: {  	[sflag:s24] =	ssyncadd.s32 $0xFFFFE000  }
0xcb: {  	_ =	swait.ge [sflag:s25], $0x2000  }
.Ltmp1:
0xcc: {  	[sflag:s25] =	ssyncset.done $0x0;
	(pc) =	sbr.rel @p0 .LBB2_4-.Ltmp1, $4  }
0xcd: {  	s0 =	sadd.s32 $0x1480, s0;
	[sflag:s25] =	ssyncadd.s32 $0xFFFFE000  }
0xce: {  	[spmem:s1] =	stream.indirect.scatter.add.f32 [tilespmem:s19], [sflag:$0x5], $0x80, s0, s23, $0xb8;
	[tilespmem:$0x1E800] =	vst v63  }
0xcf: {  	_ =	swait.ge [sflag:s14], $0x4000  }
0xd0: {  	s2 =	smov.u32 s8;
	s0 =	sshra.s32 s7, $0x2;
	[sflag:s14] =	ssyncset.done $0x0  }
0xd1: {  	s2 =	sadd.s32 $0x80, s0;
	[sflag:s14] =	ssyncadd.s32 $0xFFFFC000  }
0xd2: {  	[tilespmem:s19], [sflag:$0x3] =	stream.indirect.gather [hbm4b:s4+s16], $0x80, s2, s16, $0xb8;
	[tilespmem:$0x1E800] =	vst v63  }
0xd3: {  	s7 =	sadd.s32 $0xC0, s0  }
0xd4: {  	[tilespmem:s20], [sflag:$0x4] =	stream.indirect.gather [hbm4b:s4+s16], $0x80, s7, s16, $0xb8;
	[tilespmem:$0x1E800] =	vst v63  }
0xd5: {  	_ =	swait.ge [sflag:s21], $0x2000  }
0xd6: {  	[sflag:s21] =	ssyncset.done $0x0  }
0xd7: {  	[sflag:s21] =	ssyncadd.s32 $0xFFFFE000  }
0xd8: {  	_ =	swait.ge [sflag:s22], $0x2000  }
0xd9: {  	[sflag:s22] =	ssyncset.done $0x0  }
0xda: {  	s8 =	sadd.s32 $0x1400, s0;
	[sflag:s22] =	ssyncadd.s32 $0xFFFFE000  }
0xdb: {  	[spmem:s1] =	stream.indirect.scatter.add.f32 [tilespmem:s17], [sflag:$0x5], $0x80, s8, s23, $0xb8;
	[tilespmem:$0x1E800] =	vst v63  }
0xdc: {  	_ =	swait.ge [sflag:s14], $0x4000  }
0xdd: {  	[sflag:s14] =	ssyncset.done $0x0  }
0xde: {  	s5 =	sadd.s32 $0x100, s0;
	[sflag:s14] =	ssyncadd.s32 $0xFFFFC000  }
0xdf: {  	[tilespmem:s17], [sflag:$0x1] =	stream.indirect.gather [hbm4b:s4+s16], $0x80, s5, s16, $0xb8;
	[tilespmem:$0x1E800] =	vst v63  }
0xe0: {  	s7 =	sadd.s32 $0x140, s0  }
0xe1: {  	[tilespmem:s18], [sflag:$0x2] =	stream.indirect.gather [hbm4b:s4+s16], $0x80, s7, s16, $0xb8;
	[tilespmem:$0x1E800] =	vst v63  }
0xe2: {  	_ =	swait.ge [sflag:s24], $0x2000  }
0xe3: {  	[sflag:s24] =	ssyncset.done $0x0  }
0xe4: {  	[sflag:s24] =	ssyncadd.s32 $0xFFFFE000  }
0xe5: {  	_ =	swait.ge [sflag:s25], $0x2000  }
0xe6: {  	[sflag:s25] =	ssyncset.done $0x0  }
0xe7: {  	s8 =	sadd.s32 $0x1480, s0;
	[sflag:s25] =	ssyncadd.s32 $0xFFFFE000  }
0xe8: {  	[spmem:s1] =	stream.indirect.scatter.add.f32 [tilespmem:s19], [sflag:$0x5], $0x80, s8, s23, $0xb8;
	[tilespmem:$0x1E800] =	vst v63  }
0xe9: {  	_ =	swait.ge [sflag:s14], $0x4000  }
0xea: {  	[sflag:s14] =	ssyncset.done $0x0  }
0xeb: {  	[sflag:s14] =	ssyncadd.s32 $0xFFFFC000  }
0xec: {  	[tilespmem:s19], [sflag:$0x3] =	stream.indirect.gather [hbm4b:s4+s16], $0x80, s26, s16, $0xb8;
	[tilespmem:$0x1E800] =	vst v63  }
0xed: {  	_ = 	snop  }
0xee: {  	[tilespmem:s20], [sflag:$0x4] =	stream.indirect.gather [hbm4b:s4+s16], $0x80, s28, s16, $0xb8;
	[tilespmem:$0x1E800] =	vst v63  }
0xef: {  	_ =	swait.ge [sflag:s21], $0x2000  }
0xf0: {  	[sflag:s21] =	ssyncset.done $0x0  }
0xf1: {  	[sflag:s21] =	ssyncadd.s32 $0xFFFFE000  }
0xf2: {  	_ =	swait.ge [sflag:s22], $0x2000  }
0xf3: {  	[sflag:s22] =	ssyncset.done $0x0  }
0xf4: {  	[sflag:s22] =	ssyncadd.s32 $0xFFFFE000  }
0xf5: {  	[spmem:s1] =	stream.indirect.scatter.add.f32 [tilespmem:s17], [sflag:$0x5], $0x80, s29, s23, $0xb8;
	[tilespmem:$0x1E800] =	vst v63  }
0xf6: {  	_ =	swait.ge [sflag:s14], $0x4000  }
0xf7: {  	[sflag:s14] =	ssyncset.done $0x0  }
0xf8: {  	[sflag:s14] =	ssyncadd.s32 $0xFFFFC000  }
0xf9: {  	_ =	swait.ge [sflag:s24], $0x2000  }
0xfa: {  	[sflag:s24] =	ssyncset.done $0x0  }
0xfb: {  	[sflag:s24] =	ssyncadd.s32 $0xFFFFE000  }
0xfc: {  	_ =	swait.ge [sflag:s25], $0x2000  }
0xfd: {  	[sflag:s25] =	ssyncset.done $0x0  }
0xfe: {  	[sflag:s25] =	ssyncadd.s32 $0xFFFFE000  }
0xff: {  	[spmem:s1] =	stream.indirect.scatter.add.f32 [tilespmem:s19], [sflag:$0x5], $0x80, s30, s23, $0xb8;
	[tilespmem:$0x1E800] =	vst v63  }
0x100: {  	_ =	swait.ge [sflag:s14], $0x4000  }
0x101: {  	s31 =	sadd.s32 $0x1, s31;
	[sflag:s14] =	ssyncset.done $0x0  }
0x102: {  	p0 =	sne.s32 s31, s12;
	[sflag:s14] =	ssyncadd.s32 $0xFFFFC000  }
.Ltmp2:
0x103: {  	[bflag:$0x0] =	sbarrier.arrive $0xFFFF;
	(pc) =	sbr.rel @p0 .LBB2_1-.Ltmp2, $4  }
0x104: {  	[hbm:s11], [sflag:s6] =	dma.local [spmem:s13], $0x2800  }
0x105: {  	_ =	swait.ge [sflag:s14], $0x2800  }
0x106: {  	[sflag:s14] =	ssyncset.done $0x0  }
0x107: {  	[sflag:s14] =	ssyncadd.s32 $0xFFFFD800  }
0x108: {  	_ =	sfence.sel $0x180000  }
0x109: {  	[bflag:$0x0] =	sbarrier.arrive $0xFFFF  }
0x10a: {  	_ =	strace $0x9000004A  }
0x10b: {  	s0 =	stileid.u32;
	[bflag:$0x2] =	sbarrier.arrive $0xFFFF  }
0x10c: {  	p0 =	sne.s32 s0, $0x0;
	s0 =	rddreg [dreg:$0x3]  }
0x10d: {  	s0 =	sadd.s32 @!p0 $0x100000, s0  }
0x10e: {  	[sflag:s0] =	ssyncadd.tile.s32 @!p0 $0x1;
	_ =	shalt  }
.Lfunc_end2:
_tile_overlayer_lowered:
.L_overlay_start_2:
0x10f: {  	(tag) =	ssettag $0x2  }
0x110: {  	s0 =	rddreg [dreg:$0x0];
	s2 =	stileid.u32  }
0x111: {  	s1 =	rddreg [dreg:$0x1];
	p0 =	sne.s32 s2, $0x0  }
0x112: {  	s3 =	rddreg [dreg:$0x2];
	[bflag:$0x3] =	sbarrier.arrive $0xFFFF;
	s2 =	simm.s32 @!p0 $0x1C05  }
0x113: {  	[timem:s3], [sflag:s2] =	dma.local @!p0 [hbm:s0], s1  }
0x114: {  	s0 =	simm.s32 @!p0 $0x5  }
0x115: {  	_ =	swait.ge @!p0 [sflag:s0], s1  }
0x116: {  	s1 =	ssub.s32 @!p0 $0x0, s1;
	[sflag:s0] =	ssyncset.done @!p0 $0x0  }
0x117: {  	[sflag:s0] =	ssyncadd.s32 @!p0 s1  }
0x118: {  	[bflag:$0x3] =	sbarrier.arrive $0xFFFF  }
0x119: {  	_ =	shalt  }

// kernel: kernel.7.cloned.1.call-start
scs
__scs_entry_jumppad:
0x0: {  	(pc) =	sbr.rel $0x88, $3  }
0x1: {  	(tag) =	ssettag $0x0;
	lr =	simm.s32 $0x1  }
0x2: {  	[smem:$0x3F9D] =	sst lr;
	_ =	strace $0xD0000000  }
0x3: {  	_ = 	snop  }
0x4: {  	_ = 	snop  }
0x5: {  	_ = 	snop  }
0x6: {  	_ = 	snop  }
0x7: {  	_ = 	snop  }
__scs_overlays_trampoline_lowered:
0x8: {  	[smem:$0x3FAC] =	sst s0  }
0x9: {  	[smem:$0x3FAD] =	sst s1  }
0xa: {  	[smem:$0x3FAE] =	sst s2  }
0xb: {  	[smem:$0x3FAF] =	sst s3  }
0xc: {  	[smem:$0x3FB0] =	sst s4  }
0xd: {  	[smem:$0x3FB1] =	sst s5  }
0xe: {  	[smem:$0x3FB2] =	sst s6  }
0xf: {  	[smem:$0x3FB3] =	sst s7  }
0x10: {  	[smem:$0x3FB4] =	sst s8  }
0x11: {  	[smem:$0x3FB5] =	sst s9;
	s0 =	simm.s32 @!p0 $0x0  }
0x12: {  	s1 =	sld [smem:$0x3F9B];
	s0 =	simm.s32 @p0 $0x1  }
0x13: {  	[smem:$0x3FB6] =	sst s0;
	s0 =	simm.s32 @!p1 $0x0  }
0x14: {  	s2 =	sld [smem:$0x3F9A];
	s0 =	simm.s32 @p1 $0x1  }
0x15: {  	[smem:$0x3FB7] =	sst s0;
	s0 =	simm.s32 @!p2 $0x0  }
0x16: {  	s3 =	sld [smem:$0x3FDB];
	s0 =	simm.s32 @p2 $0x1  }
0x17: {  	s4 =	simm.s32 $0x1BF5;
	[smem:$0x3FB9] =	sst s0  }
0x18: {  	s0 =	sld [smem:$0x3F9C];
	_ =	swait.ge [sflag:s4], $0x0  }
0x19: {  	s7 =	sld [smem:$0x3F9D]  }
0x1a: {  	s8 =	sadd.s32 $0xFFFFE003, lr  }
0x1b: {  	s9 =	sadd.s32 $0xFFFFFEF7, lr;
	s5 =	simm.s32 $0xFFFFFFFF;
	p2 =	slt.u32 s8, $0xFFFFF086  }
0x1c: {  	p1 =	slt.u32 s9, $0xF7A;
	s5 =	simm.s32 @!p2 $0x0  }
0x1d: {  	s5 =	simm.s32 @p1 $0x1;
	p0 =	seq.s32 s7, s2  }
0x1e: {  	s7 =	smul.u32 @!p0 $0xF7A, s2;
	p2 =	seq.s32 @!p0 s5, $0x0  }
0x1f: {  	s9 =	smul.u32 $0xF7A, s1;
	s8 =	simm.s32 @!p0 $0x1BF5;
	p2 =	por !p2, p0  }
0x20: {  	[sflag:s8] =	ssyncset.s32 @!p0 $0xFFFFF086;
	s6 =	sadd.s32 @!p0 s3, s7;
	s7 =	simm.s32 @!p0 $0x108  }
0x21: {  	s3 =	sadd.s32 s3, s9;
	s6 =	sadd.s32 @!p0 $0x88, s6;
	s7 =	simm.s32 @p2 $0x1082  }
0x22: {  	[simem:s7], [sflag:s8] =	dma.local @!p0 [hbm:s6], $0xF7A  }
0x23: {  	s9 =	sor.u32 $0xD0000000, s2;
	s6 =	simm.s32 $0x108;
	_ =	swait.ge @!p0 [sflag:s8], $0x0  }
0x24: {  	s3 =	sadd.s32 $0x88, s3;
	s6 =	simm.s32 @!p1 $0x1082;
	[sflag:s4] =	ssyncset.s32 $0xFFFFF086  }
0x25: {  	[simem:s6], [sflag:s4] =	dma.local [hbm:s3], $0xF7A  }
0x26: {  	[smem:$0x3F9D] =	sst s1;
	(tag) =	ssettag s2;
	_ =	strace s9  }
0x27: {  	s1 =	sld [smem:$0x3FAD]  }
0x28: {  	s2 =	sld [smem:$0x3FAE]  }
0x29: {  	s4 =	sld [smem:$0x3FB0]  }
0x2a: {  	p0 =	seq.s32 s5, $0x0;
	s5 =	sld [smem:$0x3FB1]  }
0x2b: {  	s6 =	sld [smem:$0x3FB2]  }
0x2c: {  	s7 =	sld [smem:$0x3FB3]  }
0x2d: {  	s3 =	simm.s32 $0x108;
	s8 =	sld [smem:$0x3FB4]  }
0x2e: {  	s3 =	simm.s32 @!p0 $0x1082;
	s9 =	sld [smem:$0x3FB5]  }
0x2f: {  	lr =	sadd.s32 s0, s3;
	s0 =	sld [smem:$0x3FAC]  }
0x30: {  	s3 =	sld [smem:$0x3FAF]  }
0x31: {  	[smem:$0x3FB8] =	sst s10  }
0x32: {  	s10 =	sld [smem:$0x3FB6];
	_ =	sdelay $0x3  }
0x33: {  	p0 =	seq.s32 s10, $0x1;
	s10 =	sld [smem:$0x3FB8];
	_ =	sdelay $0x3  }
0x34: {  	[smem:$0x3FB8] =	sst s10  }
0x35: {  	s10 =	sld [smem:$0x3FB7];
	_ =	sdelay $0x3  }
0x36: {  	p1 =	seq.s32 s10, $0x1;
	s10 =	sld [smem:$0x3FB8];
	_ =	sdelay $0x3  }
0x37: {  	[smem:$0x3FB8] =	sst s10  }
0x38: {  	s10 =	sld [smem:$0x3FB9]  }
0x39: {  	_ = 	snop;
	(pc) =	sbr.ind lr, $3  }
0x3a: {  	_ = 	snop  }
0x3b: {  	_ = 	snop  }
0x3c: {  	p2 =	seq.s32 s10, $0x1;
	s10 =	sld [smem:$0x3FB8]  }
0x3d: {  	_ =	shalt  }
0x3e: {  	_ =	shalt  }
0x3f: {  	_ =	shalt  }
0x40: {  	_ =	shalt  }
0x41: {  	_ =	shalt  }
0x42: {  	_ =	shalt  }
0x43: {  	_ =	shalt  }
0x44: {  	_ =	shalt  }
0x45: {  	_ =	shalt  }
0x46: {  	_ =	shalt  }
0x47: {  	_ =	shalt  }
0x48: {  	_ =	shalt  }
0x49: {  	_ =	shalt  }
0x4a: {  	_ =	shalt  }
0x4b: {  	_ =	shalt  }
0x4c: {  	_ =	shalt  }
0x4d: {  	_ =	shalt  }
0x4e: {  	_ =	shalt  }
0x4f: {  	_ =	shalt  }
0x50: {  	_ =	shalt  }
0x51: {  	_ =	shalt  }
0x52: {  	_ =	shalt  }
0x53: {  	_ =	shalt  }
0x54: {  	_ =	shalt  }
0x55: {  	_ =	shalt  }
0x56: {  	_ =	shalt  }
0x57: {  	_ =	shalt  }
0x58: {  	_ =	shalt  }
0x59: {  	_ =	shalt  }
0x5a: {  	_ =	shalt  }
0x5b: {  	_ =	shalt  }
0x5c: {  	_ =	shalt  }
0x5d: {  	_ =	shalt  }
0x5e: {  	_ =	shalt  }
0x5f: {  	_ =	shalt  }
0x60: {  	_ =	shalt  }
0x61: {  	_ =	shalt  }
0x62: {  	_ =	shalt  }
0x63: {  	_ =	shalt  }
0x64: {  	_ =	shalt  }
0x65: {  	_ =	shalt  }
0x66: {  	_ =	shalt  }
0x67: {  	_ =	shalt  }
0x68: {  	_ =	shalt  }
0x69: {  	_ =	shalt  }
0x6a: {  	_ =	shalt  }
0x6b: {  	_ =	shalt  }
0x6c: {  	_ =	shalt  }
0x6d: {  	_ =	shalt  }
0x6e: {  	_ =	shalt  }
0x6f: {  	_ =	shalt  }
0x70: {  	_ =	shalt  }
0x71: {  	_ =	shalt  }
0x72: {  	_ =	shalt  }
0x73: {  	_ =	shalt  }
0x74: {  	_ =	shalt  }
0x75: {  	_ =	shalt  }
0x76: {  	_ =	shalt  }
0x77: {  	_ =	shalt  }
0x78: {  	_ =	shalt  }
0x79: {  	_ =	shalt  }
0x7a: {  	_ =	shalt  }
0x7b: {  	_ =	shalt  }
0x7c: {  	_ =	shalt  }
0x7d: {  	_ =	shalt  }
0x7e: {  	_ =	shalt  }
0x7f: {  	_ =	shalt  }
0x80: {  	_ =	shalt  }
0x81: {  	_ =	shalt  }
0x82: {  	_ =	shalt  }
0x83: {  	_ =	shalt  }
0x84: {  	_ =	shalt  }
0x85: {  	_ =	shalt  }
0x86: {  	_ =	shalt  }
0x87: {  	_ =	shalt  }
.Lfunc_end0:
.L_simem_size_0:
called_computation_lowered:
.L_overlay_start_0:
0x88: {  	s2 =	sld [smem:$0x3FD9]  }
0x89: {  	s3 =	sld [smem:$0x3FFE];
	_ =	sdelay $0x1  }
0x8a: {  	s1 =	srdreg.scid  }
0x8b: {  	s0 =	sand.u32 $0x1, s1  }
0x8c: {  	s16 =	sshll.u32 s0, $0xA;
	s2 =	sadd.s32 s3, s2  }
0x8d: {  	s2 =	sadd.s32 s2, s16  }
0x8e: {  	[smem:$0x3FC4] =	sst s2  }
0x8f: {  	_ = 	snop  }
0x90: {  	(tm) =	ssettm $0x1  }
0x91: {  	s17 =	sld [smem:$0x3FFB];
	_ =	sdelay $0x3  }
0x92: {  	_ =	strace s17  }
0x93: {  	s2 =	sld [smem:$0x3FFC];
	_ =	sdelay $0x3  }
0x94: {  	_ =	strace s2  }
0x95: {  	s2 =	sld [smem:$0x3FFD];
	_ =	sdelay $0x3  }
0x96: {  	_ =	strace s2  }
0x97: {  	_ =	strace $0x8FFFFFFF  }
0x98: {  	s18 =	sld [smem:$0x3FDB];
	_ =	sdelay $0x1  }
0x99: {  	s19 =	simm.s32 $_scs_section_size  }
0x9a: {  	s4 =	simm.s32 $_size__tile_overlayer_lowered;
	s5 =	simm.s32 $_tile_overlayer_lowered  }
0x9b: {  	s22 =	simm.s32 $0x1BFF;
	s21 =	sshll.u32 s5, $0x1;
	s2 =	sadd.s32 s19, s18  }
0x9c: {  	s6 =	simm.s32 $0x0;
	s20 =	sshll.u32 s4, $0x1;
	s4 =	sadd.s32 s21, s2  }
0x9d: {  	[timem:s6], [sflag:s22] =	dma.local [hbm:s4], s20  }
0x9e: {  	_ =	swait.ge [sflag:s22], s20  }
0x9f: {  	s3 =	ssub.s32 $0x0, s20;
	[sflag:s22] =	ssyncset.done $0x0  }
0xa0: {  	[sflag:s22] =	ssyncadd.s32 s3;
	_ =	sdelay $0x1  }
0xa1: {  	s23 =	simm.s32 $0x1B8B  }
0xa2: {  	_ =	swait.ge [sflag:s23], $0x1  }
0xa3: {  	[sflag:s23] =	ssyncset.done $0x0  }
0xa4: {  	s25 =	simm.s32 $0x1B8E;
	s24 =	sld [smem:$0x3FFE];
	[sflag:s23] =	ssyncadd.s32 $0xFFFFFFFF  }
0xa5: {  	s26 =	simm.s32 $execute0_lowered;
	[smem:$0x3FD2] =	sst s25  }
0xa6: {  	s4 =	sshll.u32 s26, $0x1;
	_ =	strace $0x80000046;
	[dreg:$0x1] =	wrdreg $0xFFFFFFFF  }
0xa7: {  	s28 =	simm.s32 $_size_execute0_lowered;
	s2 =	sadd.s32 s2, s4;
	[dreg:$0x0] =	wrdreg $0x0  }
0xa8: {  	s4 =	sshll.u32 s28, $0x1;
	[dreg:$0x2] =	wrdreg s2  }
0xa9: {  	[dreg:$0x3] =	wrdreg s4  }
0xaa: {  	[dreg:$0x4] =	wrdreg $0xC0  }
0xab: {  	_ =	task [dreg:s6], $0x5FFFF  }
0xac: {  	[dreg:$0x1] =	wrdreg $0xFFFFFFFF  }
0xad: {  	[dreg:$0x0] =	wrdreg $0x60  }
0xae: {  	[dreg:$0x2] =	wrdreg s24  }
0xaf: {  	[dreg:$0x3] =	wrdreg $0x88000  }
0xb0: {  	[dreg:$0x4] =	wrdreg $0x9  }
0xb1: {  	_ =	task.clear_ibuf [dreg:s6], $0x5FFFF;
	_ =	strace $0x90000046  }
0xb2: {  	s29 =	simm.s32 $0x9;
	_ =	strace $0x80000048  }
0xb3: {  	_ =	swait.ge [sflag:s29], $0x1  }
0xb4: {  	[sflag:s29] =	ssyncadd.s32 $0xFFFFFFFF  }
0xb5: {  	_ =	strace $0x90000048  }
0xb6: {  	_ =	sfence  }
0xb7: {  	s30 =	sld [smem:$0x0];
	_ =	sdelay $0x2  }
0xb8: {  	s31 =	sshll.u32 s1, $0xD;
	s1 =	sshrl.u32 s1, $0x2  }
0xb9: {  	s3 =	sand.u32 $0x4000, s31;
	s1 =	sadd.s32 s1, s30  }
0xba: {  	s0 =	sor.u32 s3, s0;
	s1 =	sshll.u32 s1, $0x11  }
0xbb: {  	s0 =	sor.u32 s1, s0  }
0xbc: {  	s0 =	sadd.s32 $0x8F2B, s0  }
0xbd: {  	[sflag:s0] =	ssyncadd.remote.s32 $0x1  }
0xbe: {  	_ =	sfence.sel $0xFFFF  }
0xbf: {  	[dreg:$0x0] =	wrdreg $0xFFFFFFFF;
	(pc) =	sbr.abs _section_cstart, $3  }
0xc0: {  	[dreg:$0x1] =	wrdreg $0xFFFFFFFF  }
0xc1: {  	_ =	task.clear_ibuf [dreg:s6], $0x2FFFF;
	_ =	strace $0x9FFFFFFF  }
0xc2: {  	(tm) =	ssettm $0x7FFFFFFF  }
0xc3: {  	_ =	shalt  }
tec
execute0_lowered:
.L_overlay_start_1:
0x0: {  	(tag) =	ssettag $0x1  }
0x1: {  	s4 =	rddreg [dreg:$0x0]  }
0x2: {  	s1 =	rddreg [dreg:$0x1]  }
0x3: {  	s2 =	srdreg.scid;
	s0 =	rddreg [dreg:$0x2];
	s3 =	simm.s32 $0x0  }
0x4: {  	s13 =	simm.s32 $0x5400;
	s14 =	simm.s32 $0x1;
	s15 =	simm.s32 $0x80  }
0x5: {  	s16 =	simm.s32 $0x1400;
	s5 =	sand.u32 $0x1, s2;
	s2 =	stileid.u32  }
0x6: {  	[smem:$0x7FF] =	sst s3;
	s6 =	sshll.u32 s5, $0x4;
	s7 =	smul.u32 $0x28000, s5  }
0x7: {  	s8 =	smul.u32 $0x2800, s2;
	_ =	strace $0x80000047;
	s5 =	ssub.s32 $0x2, s5  }
0x8: {  	s29 =	smul.u32 $0x50000, s2;
	s17 =	sshll.u32 s2, $0x6;
	s6 =	sor.u32 s2, s6  }
0x9: {  	s30 =	sshrl.u32 s5, $0x1;
	s17 =	sor.u32 $0x1C01, s17;
	s6 =	smul.u32 $0x280, s6  }
0xa: {  	s7 =	sadd.s32 s8, s7;
	s9 =	ssub.s32 s5, s30;
	s31 =	sshrl.u32 s29, $0x2  }
0xb: {  	s7 =	sadd.s32 s7, s4;
	s5 =	sadd.s32 s31, s1;
	s6 =	sadd.s32 s6, s4  }
0xc: {  	s8 =	sadd.s32 $0x3200, s5;
	s10 =	sadd.s32 $0x9600, s5;
	s11 =	sadd.s32 $0xC800, s5  }
0xd: {  	s12 =	sadd.s32 $0xFA00, s5;
	s18 =	sshrl.u32 s5, $0x3;
	s4 =	sadd.s32 $0x2000, s6  }
0xe: {  	v0 =	vimm.f32 $1.000000000e+00;
	v1 =	vimm.f32 $0.0e+00;
	s6 =	sadd.s32 $0x7000, s7;
	s7 =	smax.u32 s9, $0x1;
	s9 =	sadd.s32 $0x6400, s5  }
.LBB2_1:
0xf: {  	s19 =	simm.s32 $0x0  }
.LBB2_2:
0x10: {  	p0 =	sne.s32 s19, $0xFE00  }
.Ltmp0:
0x11: {  	_ = 	snop;
	(pc) =	sbr.rel @p0 .LBB2_2-.Ltmp0, $3  }
0x12: {  	_ =	sdelay $0x1  }
0x13: {  	s20 =	sshra.s32 s19, $0x2  }
0x14: {  	s19 =	sadd.s32 $0x200, s19;
	[tilespmem:s20+$0x1400] =	vst v0  }
0x15: {  	s19 =	simm.s32 $0x200;
	s20 =	simm.s32 $0x0  }
.LBB2_4:
0x16: {  	p0 =	sne.s32 s19, $0xC600;
	[tilespmem:s20+$0x5400] =	vst v1;
	s20 =	smov.u32 s19;
	s19 =	sadd.s32 $0x200, s19  }
.Ltmp1:
0x17: {  	(pc) =	sbr.rel @p0 .LBB2_4-.Ltmp1, $2  }
0x18: {  	_ =	sdelay $0x2  }
0x19: {  	s20 =	sshra.s32 s20, $0x2  }
0x1a: {  	[tilespmem:s20+$0x5400] =	vst v1  }
0x1b: {  	[spmem:s5] =	stream.linear.scatter [tilespmem:s13], [sflag:$0x1], $0x3200, $0x38;
	[tilespmem:$0xB000] =	vst v63  }
0x1c: {  	_ =	swait.ge [sflag:s14], $0x3200  }
0x1d: {  	[sflag:s14] =	ssyncset.done $0x0  }
0x1e: {  	[sflag:s14] =	ssyncadd.s32 $0xFFFFCE00  }
0x1f: {  	[spmem:s8] =	stream.linear.scatter [tilespmem:s13], [sflag:$0x1], $0x3200, $0x38;
	[tilespmem:$0xB000] =	vst v63  }
0x20: {  	_ =	swait.ge [sflag:s14], $0x3200  }
0x21: {  	[sflag:s14] =	ssyncset.done $0x0  }
0x22: {  	[sflag:s14] =	ssyncadd.s32 $0xFFFFCE00  }
0x23: {  	[spmem:s9] =	stream.linear.scatter [tilespmem:s13], [sflag:$0x1], $0x3200, $0x38;
	[tilespmem:$0xB000] =	vst v63  }
0x24: {  	_ =	swait.ge [sflag:s14], $0x3200  }
0x25: {  	[sflag:s14] =	ssyncset.done $0x0  }
0x26: {  	[sflag:s14] =	ssyncadd.s32 $0xFFFFCE00  }
0x27: {  	[spmem:s10] =	stream.linear.scatter [tilespmem:s13], [sflag:$0x1], $0x3200, $0x38;
	[tilespmem:$0xB000] =	vst v63  }
0x28: {  	_ =	swait.ge [sflag:s14], $0x3200  }
0x29: {  	[sflag:s14] =	ssyncset.done $0x0  }
0x2a: {  	[sflag:s14] =	ssyncadd.s32 $0xFFFFCE00  }
0x2b: {  	[spmem:s11] =	stream.linear.scatter [tilespmem:s13], [sflag:$0x1], $0x3200, $0x38;
	[tilespmem:$0xB000] =	vst v63  }
0x2c: {  	_ =	swait.ge [sflag:s14], $0x3200  }
0x2d: {  	[sflag:s14] =	ssyncset.done $0x0  }
0x2e: {  	[sflag:s14] =	ssyncadd.s32 $0xFFFFCE00  }
0x2f: {  	[spmem:s12] =	stream.linear.scatter [tilespmem:s13], [sflag:$0x1], $0x3200, $0x38;
	[tilespmem:$0xB000] =	vst v63  }
0x30: {  	_ =	swait.ge [sflag:s14], $0x3200  }
0x31: {  	[sflag:s14] =	ssyncset.done $0x0  }
0x32: {  	s19 =	simm.s32 $0x0;
	[sflag:s14] =	ssyncadd.s32 $0xFFFFCE00  }
0x33: {  	[tilespmem:s19], [sflag:$0x1] =	stream.linear.gather [hbm4b:s4+s19], $0x1400, $0x38;
	[tilespmem:$0xB000] =	vst v63  }
0x34: {  	_ =	swait.ge [sflag:s14], $0x1400  }
0x35: {  	[sflag:s14] =	ssyncset.done $0x0  }
0x36: {  	[sflag:s14] =	ssyncadd.s32 $0xFFFFEC00  }
0x37: {  	s31 =	simm.s32 $0x0;
	[bflag:$0x0] =	sbarrier.arrive $0xFFFF  }
0x38: {  	[spmem:s1] =	stream.indirect.scatter.add.f32 [tilespmem:s16], [sflag:$0x1], $0x10, s31, s15, $0xb8;
	[tilespmem:$0xB000] =	vst v63  }
0x39: {  	_ =	swait.ge [sflag:s14], $0x800  }
0x3a: {  	s19 =	simm.s32 $0x200;
	[sflag:s14] =	ssyncset.done $0x0  }
.LBB2_6:
0x3b: {  	s20 =	sshra.s32 s19, $0x2;
	[sflag:s14] =	ssyncadd.s32 $0xFFFFF800;
	p0 =	sne.s32 s19, $0x4E00  }
0x3c: {  	[spmem:s1] =	stream.indirect.scatter.add.f32 [tilespmem:s16], [sflag:$0x1], $0x10, s20, s15, $0xb8;
	[tilespmem:$0xB000] =	vst v63  }
.Ltmp2:
0x3d: {  	_ = 	snop;
	(pc) =	sbr.rel @p0 .LBB2_6-.Ltmp2, $4  }
0x3e: {  	_ = 	snop  }
0x3f: {  	s19 =	sadd.s32 $0x200, s19  }
0x40: {  	_ =	swait.ge [sflag:s14], $0x800  }
0x41: {  	[sflag:s14] =	ssyncset.done $0x0  }
0x42: {  	s3 =	sadd.s32 $0x1, s3  }
0x43: {  	[sflag:s14] =	ssyncadd.s32 $0xFFFFF800;
	p0 =	sne.s32 s3, s7  }
.Ltmp3:
0x44: {  	[bflag:$0x0] =	sbarrier.arrive $0xFFFF;
	(pc) =	sbr.rel @p0 .LBB2_1-.Ltmp3, $4  }
0x45: {  	[hbm:s6], [sflag:s17] =	dma.local [spmem:s18], $0x2800  }
0x46: {  	_ =	swait.ge [sflag:s14], $0x2800  }
0x47: {  	[sflag:s14] =	ssyncset.done $0x0  }
0x48: {  	[sflag:s14] =	ssyncadd.s32 $0xFFFFD800  }
0x49: {  	_ =	sfence.sel $0x180000  }
0x4a: {  	[bflag:$0x0] =	sbarrier.arrive $0xFFFF  }
0x4b: {  	p0 =	sne.s32 s2, $0x0;
	_ =	strace $0x90000047  }
0x4c: {  	s0 =	sadd.s32 @!p0 $0x100000, s0;
	[bflag:$0x2] =	sbarrier.arrive $0xFFFF  }
0x4d: {  	[sflag:s0] =	ssyncadd.tile.s32 @!p0 $0x1;
	_ =	shalt  }
.Lfunc_end2:
_tile_overlayer_lowered:
.L_overlay_start_2:
0x4e: {  	(tag) =	ssettag $0x2  }
0x4f: {  	s0 =	rddreg [dreg:$0x0];
	s2 =	stileid.u32  }
0x50: {  	s1 =	rddreg [dreg:$0x1];
	p0 =	sne.s32 s2, $0x0  }
0x51: {  	s3 =	rddreg [dreg:$0x2];
	[bflag:$0x3] =	sbarrier.arrive $0xFFFF;
	s2 =	simm.s32 @!p0 $0x1C01  }
0x52: {  	[timem:s3], [sflag:s2] =	dma.local @!p0 [hbm:s0], s1  }
0x53: {  	s0 =	simm.s32 @!p0 $0x1  }
0x54: {  	_ =	swait.ge @!p0 [sflag:s0], s1  }
0x55: {  	s1 =	ssub.s32 @!p0 $0x0, s1;
	[sflag:s0] =	ssyncset.done @!p0 $0x0  }
0x56: {  	[sflag:s0] =	ssyncadd.s32 @!p0 s1  }
0x57: {  	[bflag:$0x3] =	sbarrier.arrive $0xFFFF  }
0x58: {  	_ =	shalt  }

</sc_bundles>
